<compile_context>
chip_gen: v7x
topology: tpu7x:2x2x1
jax: 0.10.2.dev20260603
libtpu: 0.0.44.dev20260713+nightly
codegen_flags: <defaults>
</compile_context>

<pallas_src>
import jax
import jax.numpy as jnp
from jax import lax
from jax.experimental import pallas as pl
from jax.experimental.pallas import tpu as pltpu
from jax.experimental.pallas import tpu_sc as plsc

_N = 10000
_E = 320000
_D = 128
_C = 40
_G = 64

_NC = 2
_NS = 16
_NW = _NC * _NS
_L = 16

_NP = 10240
_SLC = _NP // _NS
_EV = _E // _NS
_EW = _E // _NW
_GN = _G * _NP
_RSP = _GN // _NS
_K = 2000
_DK = 4000
_ZCH = 10240


def _rsqrt16(deg):
    magic = jnp.full((_L,), 0x5F3759DF, jnp.int32)
    half = deg * jnp.full((_L,), 0.5, jnp.float32)
    three_half = jnp.full((_L,), 1.5, jnp.float32)
    y = plsc.bitcast(magic - (plsc.bitcast(deg, jnp.int32) >> 1), jnp.float32)
    for _ in range(3):
        y = y * (three_half - half * y * y)
    return y


def _sc_body(ei_hbm, batch_hbm, r_hbm, cnt_hbm,
             edge_v, src_v, batch_v, dis_v, disl_v, z_v, ones_v,
             didx0, didx1, rval0, rval1, ridx0, ridx1, val_s, idx_s,
             s_src, s_dst, s_batch, s_dl0, s_dl1, s_ds0, s_ds1,
             s_rs0, s_rs1, s_o0, s_o1,
             sh_deg, sh_dis, sh_r):
    cid = lax.axis_index("c")
    sid = lax.axis_index("s")
    wid = cid * _NS + sid

    zeros16 = jnp.zeros((_L,), jnp.float32)
    ones16 = jnp.full((_L,), 1.0, jnp.float32)

    didx = (didx0, didx1)
    s_dl = (s_dl0, s_dl1)
    s_ds = (s_ds0, s_ds1)
    rval = (rval0, rval1)
    ridx = (ridx0, ridx1)
    s_rs = (s_rs0, s_rs1)
    outb = (z_v, dis_v)
    s_o = (s_o0, s_o1)
    n_deg = _EV // _DK
    n_r = _EW // _K

    c_src = pltpu.async_copy(ei_hbm.at[pl.ds(wid * _EW, _EW)], src_v, s_src)
    c_dst = pltpu.async_copy(ei_hbm.at[pl.ds(_E + wid * _EW, _EW)],
                             edge_v, s_dst)
    c_bat = pltpu.async_copy(batch_hbm, batch_v.at[pl.ds(0, _N)], s_batch)
    dload = [None] * n_deg
    dload[0] = pltpu.async_copy(
        ei_hbm.at[pl.ds(_E + sid * _EV, _DK)], didx[0], s_dl[0])

    def _z2(i, _):
        z_v[pl.ds(i * _L, _L)] = zeros16
        return ()
    lax.fori_loop(0, _ZCH // _L, _z2, ())

    def _o(i, _):
        ones_v[pl.ds(i * _L, _L)] = ones16
        return ()
    lax.fori_loop(0, _DK // _L, _o, ())

    pltpu.sync_copy(z_v.at[pl.ds(0, _SLC)], sh_deg.at[pl.ds(sid * _SLC, _SLC)])
    for j in range(_RSP // _ZCH):
        pltpu.sync_copy(z_v, sh_r.at[pl.ds(sid * _RSP + j * _ZCH, _ZCH)])

    @pl.when(sid == 0)
    def _():
        pltpu.sync_copy(z_v.at[pl.ds(0, 128)], sh_r.at[pl.ds(_GN, 128)])
    plsc.subcore_barrier()

    dscat = [None] * n_deg
    for ci in range(n_deg):
        b = ci % 2
        dload[ci].wait()
        if ci + 1 < n_deg:
            if ci >= 1:
                dscat[ci - 1].wait()
            dload[ci + 1] = pltpu.async_copy(
                ei_hbm.at[pl.ds(_E + sid * _EV + (ci + 1) * _DK, _DK)],
                didx[1 - b], s_dl[1 - b])
        dscat[ci] = pltpu.async_copy(ones_v, sh_deg.at[didx[b]], s_ds[b],
                                     add=True)
    dscat[n_deg - 2].wait()
    dscat[n_deg - 1].wait()
    plsc.subcore_barrier()

    pltpu.sync_copy(sh_deg.at[pl.ds(sid * _SLC, _SLC)], disl_v)

    def _red(k, _):
        acc = disl_v[pl.ds(k * _L, _L)]
        disv = _rsqrt16(acc + ones16)
        disl_v[pl.ds(k * _L, _L)] = disv
        return ()
    lax.fori_loop(0, _SLC // _L, _red, ())

    pltpu.sync_copy(disl_v, sh_dis.at[pl.ds(sid * _SLC, _SLC)])
    plsc.subcore_barrier()

    pltpu.sync_copy(sh_dis, dis_v)
    c_src.wait()
    c_dst.wait()
    c_bat.wait()

    np16 = jnp.full((_L,), _NP, jnp.int32)

    @pl.when(cid == 0)
    def _():
        nlim16 = jnp.full((_L,), _N, jnp.int32)
        gn16 = jnp.full((_L,), _GN, jnp.int32)
        zeros16i = jnp.zeros((_L,), jnp.int32)

        def _selfloop(k, _):
            off = sid * _SLC + k * _L
            n16 = lax.iota(jnp.int32, _L) + jnp.full((_L,), 1, jnp.int32) * off
            dn = dis_v[pl.ds(off, _L)]
            gb = batch_v[pl.ds(off, _L)]
            valid = n16 < nlim16
            idx_s[pl.ds(2 * k * _L, _L)] = jnp.where(
                valid, gb * np16 + n16, zeros16i)
            val_s[pl.ds(2 * k * _L, _L)] = jnp.where(valid, dn * dn, zeros16)
            idx_s[pl.ds((2 * k + 1) * _L, _L)] = jnp.where(
                valid, gn16 + gb, zeros16i)
            val_s[pl.ds((2 * k + 1) * _L, _L)] = jnp.where(
                valid, ones16, zeros16)
            return ()
        lax.fori_loop(0, _SLC // _L, _selfloop, ())
        pltpu.sync_copy(val_s, sh_r.at[idx_s], add=True)

    rscat = [None] * n_r
    for ci in range(n_r):
        b = ci % 2
        if ci >= 2:
            rscat[ci - 2].wait()

        def _inner(i, _, ci=ci, b=b):
            off = ci * _K + i * _L
            s16 = src_v[pl.ds(off, _L)]
            d16 = edge_v[pl.ds(off, _L)]
            vs = plsc.load_gather(dis_v, [s16])
            vd = plsc.load_gather(dis_v, [d16])
            gb = plsc.load_gather(batch_v, [d16])
            ridx[b][pl.ds(i * _L, _L)] = gb * np16 + s16
            rval[b][pl.ds(i * _L, _L)] = vs * vd
            return ()
        lax.fori_loop(0, _K // _L, _inner, ())
        rscat[ci] = pltpu.async_copy(rval[b], sh_r.at[ridx[b]], s_rs[b],
                                     add=True)
    rscat[n_r - 2].wait()
    rscat[n_r - 1].wait()
    plsc.subcore_barrier()

    ostore = [None, None]
    for j in range(_RSP // _ZCH):
        b = j % 2
        if ostore[b] is not None:
            ostore[b].wait()
        pltpu.sync_copy(sh_r.at[pl.ds(sid * _RSP + j * _ZCH, _ZCH)], outb[b])
        ostore[b] = pltpu.async_copy(
            outb[b],
            r_hbm.at[pl.ds(cid * _GN + sid * _RSP + j * _ZCH, _ZCH)], s_o[b])
    ostore[0].wait()
    ostore[1].wait()

    @pl.when((cid == 0) & (sid == 0))
    def _():
        pltpu.sync_copy(sh_r.at[pl.ds(_GN, 128)], disl_v.at[pl.ds(0, 128)])
        pltpu.sync_copy(disl_v.at[pl.ds(0, 128)], cnt_hbm)


def _sc_call(ei_flat, batch):
    mesh = plsc.VectorSubcoreMesh(core_axis_name="c", subcore_axis_name="s",
                                  num_cores=_NC, num_subcores=_NS)
    return pl.kernel(
        _sc_body,
        out_type=(jax.ShapeDtypeStruct((_NC * _GN,), jnp.float32),
                  jax.ShapeDtypeStruct((128,), jnp.float32)),
        mesh=mesh,
        compiler_params=pltpu.CompilerParams(needs_layout_passes=False),
        scratch_types=[
            pltpu.VMEM((_EW,), jnp.int32),
            pltpu.VMEM((_EW,), jnp.int32),
            pltpu.VMEM((_NP,), jnp.int32),
            pltpu.VMEM((_NP,), jnp.float32),
            pltpu.VMEM((_SLC,), jnp.float32),
            pltpu.VMEM((_ZCH,), jnp.float32),
            pltpu.VMEM((_DK,), jnp.float32),
            pltpu.VMEM((_DK,), jnp.int32),
            pltpu.VMEM((_DK,), jnp.int32),
            pltpu.VMEM((_K,), jnp.float32),
            pltpu.VMEM((_K,), jnp.float32),
            pltpu.VMEM((_K,), jnp.int32),
            pltpu.VMEM((_K,), jnp.int32),
            pltpu.VMEM((2 * _SLC,), jnp.float32),
            pltpu.VMEM((2 * _SLC,), jnp.int32),
            pltpu.SemaphoreType.DMA,
            pltpu.SemaphoreType.DMA,
            pltpu.SemaphoreType.DMA,
            pltpu.SemaphoreType.DMA,
            pltpu.SemaphoreType.DMA,
            pltpu.SemaphoreType.DMA,
            pltpu.SemaphoreType.DMA,
            pltpu.SemaphoreType.DMA,
            pltpu.SemaphoreType.DMA,
            pltpu.SemaphoreType.DMA,
            pltpu.SemaphoreType.DMA,
            pltpu.VMEM_SHARED((_NP,), jnp.float32),
            pltpu.VMEM_SHARED((_NP,), jnp.float32),
            pltpu.VMEM_SHARED((_GN + 128,), jnp.float32),
        ],
    )(ei_flat, batch)


_BLK = 2048
_NBLK = _NP // _BLK
_QB = _BLK // _D
_XR = 256
_XQ = _BLK // _XR


def _tc_body(x_ref, w_ref, b_ref, rp_ref, cnt_ref, out_ref, acc_ref):
    i = pl.program_id(0)

    @pl.when(i == 0)
    def _():
        acc_ref[...] = jnp.zeros((_C, _NC * _G), jnp.float32)

    w = w_ref[...]
    hs = [jnp.dot(x_ref[j], w, preferred_element_type=jnp.float32)
          for j in range(_XQ)]
    hh = jnp.concatenate(hs, axis=0)
    rr = jnp.concatenate([rp_ref[:, q, :] for q in range(_QB)],
                         axis=1)
    acc_ref[...] += lax.dot_general(hh, rr, (((0,), (1,)), ((), ())),
                                    preferred_element_type=jnp.float32)

    @pl.when(i == _NBLK - 1)
    def _():
        accf = acc_ref[...]
        a64 = accf[:, :_G] + accf[:, _G:]
        cnt = cnt_ref[...][: _G].reshape(1, _G)
        pooled_t = a64 / jnp.maximum(cnt, 1.0)
        pooled_t = pooled_t + b_ref[...].T * jnp.where(cnt > 0.0, 1.0, 0.0)
        out_ref[...] = pooled_t.T


def _tc_call(x3, W, b_row, rp3, cnt):
    return pl.pallas_call(
        _tc_body,
        grid=(_NBLK,),
        in_specs=[
            pl.BlockSpec((_XQ, _XR, _D), lambda i: (i, 0, 0)),
            pl.BlockSpec((_D, _C), lambda i: (0, 0)),
            pl.BlockSpec((1, _C), lambda i: (0, 0)),
            pl.BlockSpec((_NC * _G, _QB, _D), lambda i: (0, i, 0)),
            pl.BlockSpec((128,), lambda i: (0,)),
        ],
        out_specs=pl.BlockSpec((_G, _C), lambda i: (0, 0)),
        out_shape=jax.ShapeDtypeStruct((_G, _C), jnp.float32),
        scratch_shapes=[
            pltpu.VMEM((_C, _NC * _G), jnp.float32),
        ],
    )(x3, W, b_row, rp3, cnt)


def kernel(x, edge_index, batch, W, b):
    ei_flat = edge_index.reshape(2 * _E)
    rp_flat, cnt = _sc_call(ei_flat, batch)
    rp3 = rp_flat.reshape(_NC * _G, _NP // _D, _D)
    x3 = jnp.pad(x, ((0, _NP - _N), (0, 0))).reshape(_NP // _XR, _XR, _D)
    return _tc_call(x3, W, b.reshape(1, _C), rp3, cnt)

# --- scband reference (transcript-rebuilt; emitter-appended) ---
"""Pipeline reference for scband-gcnhead-66383014527706 (READ-ONLY COPY).

The authoritative reference and input builder live on the scoring server;
editing this copy changes nothing except your own understanding.
"""

import jax, jax.numpy as jnp
import numpy as np

N = 10000
E = 320000
D = 128
C = 40
G = 64


def setup_inputs(seed: int = 0) -> dict:
    key = jax.random.key(seed)
    k1, k2, k3, k4 = jax.random.split(key, 4)
    x = jax.random.normal(k1, (N, D), dtype=jnp.float32)
    edge_index = jax.random.randint(k2, (2, E), 0, N, dtype=jnp.int32)
    batch = jnp.sort(jax.random.randint(k3, (N,), 0, G, dtype=jnp.int32))
    W = jax.random.normal(k4, (D, C), dtype=jnp.float32) * 0.05
    b = jnp.zeros((C,), dtype=jnp.float32)
    return {"x": x, "edge_index": edge_index, "batch": batch, "W": W, "b": b}


def reference(x, edge_index, batch, W, b):
    # GCNConv with symmetric normalization and self-loops (PyG semantics)
    n = x.shape[0]
    loop = jnp.arange(n, dtype=edge_index.dtype)
    src = jnp.concatenate([edge_index[0], loop])
    dst = jnp.concatenate([edge_index[1], loop])
    # degree of destination nodes (including self-loops)
    deg = jnp.zeros((n,), dtype=x.dtype).at[dst].add(1.0)
    deg_inv_sqrt = jnp.where(deg > 0, deg ** -0.5, 0.0)
    norm = deg_inv_sqrt[src] * deg_inv_sqrt[dst]
    h = x @ W
    msg = h[src] * norm[:, None]
    out = jnp.zeros((n, h.shape[1]), dtype=x.dtype).at[dst].add(msg)
    out = out + b
    # global_mean_pool over batch segment ids
    counts = jax.ops.segment_sum(jnp.ones((n,), dtype=x.dtype), batch, num_segments=G)
    summed = jax.ops.segment_sum(out, batch, num_segments=G)
    pooled = summed / jnp.maximum(counts, 1.0)[:, None]
    return pooled

if __name__ == "__main__":
    import jax
    _d = setup_inputs()
    print(jax.jit(kernel)(*tuple(_d.values())))

</pallas_src>

<mosaic_0001>
#map = affine_map<(d0, d1) -> (0)>
module attributes {stable_mosaic.version = 14 : i64} {
  func.func @_sc_body(%arg0: i32, %arg1: i32, %arg2: memref<640000xi32, #tpu.memory_space<hbm>>, %arg3: memref<10000xi32, #tpu.memory_space<hbm>>, %arg4: memref<1310720xf32, #tpu.memory_space<hbm>>, %arg5: memref<128xf32, #tpu.memory_space<hbm>>, %arg6: memref<10000xi32, #tpu.memory_space<vmem>>, %arg7: memref<10000xi32, #tpu.memory_space<vmem>>, %arg8: memref<10240xi32, #tpu.memory_space<vmem>>, %arg9: memref<10240xf32, #tpu.memory_space<vmem>>, %arg10: memref<640xf32, #tpu.memory_space<vmem>>, %arg11: memref<10240xf32, #tpu.memory_space<vmem>>, %arg12: memref<4000xf32, #tpu.memory_space<vmem>>, %arg13: memref<4000xi32, #tpu.memory_space<vmem>>, %arg14: memref<4000xi32, #tpu.memory_space<vmem>>, %arg15: memref<2000xf32, #tpu.memory_space<vmem>>, %arg16: memref<2000xf32, #tpu.memory_space<vmem>>, %arg17: memref<2000xi32, #tpu.memory_space<vmem>>, %arg18: memref<2000xi32, #tpu.memory_space<vmem>>, %arg19: memref<1280xf32, #tpu.memory_space<vmem>>, %arg20: memref<1280xi32, #tpu.memory_space<vmem>>, %arg21: memref<!tpu.dma_semaphore, #tpu.memory_space<semaphore_mem>>, %arg22: memref<!tpu.dma_semaphore, #tpu.memory_space<semaphore_mem>>, %arg23: memref<!tpu.dma_semaphore, #tpu.memory_space<semaphore_mem>>, %arg24: memref<!tpu.dma_semaphore, #tpu.memory_space<semaphore_mem>>, %arg25: memref<!tpu.dma_semaphore, #tpu.memory_space<semaphore_mem>>, %arg26: memref<!tpu.dma_semaphore, #tpu.memory_space<semaphore_mem>>, %arg27: memref<!tpu.dma_semaphore, #tpu.memory_space<semaphore_mem>>, %arg28: memref<!tpu.dma_semaphore, #tpu.memory_space<semaphore_mem>>, %arg29: memref<!tpu.dma_semaphore, #tpu.memory_space<semaphore_mem>>, %arg30: memref<!tpu.dma_semaphore, #tpu.memory_space<semaphore_mem>>, %arg31: memref<!tpu.dma_semaphore, #tpu.memory_space<semaphore_mem>>, %arg32: memref<10240xf32, #tpu.memory_space<vmem_shared>>, %arg33: memref<10240xf32, #tpu.memory_space<vmem_shared>>, %arg34: memref<655488xf32, #tpu.memory_space<vmem_shared>>) attributes {dimension_semantics = [#tpu.dimension_semantics<core_parallel>, #tpu.dimension_semantics<subcore_parallel>], iteration_bounds = array<i64: 2, 16>, scalar_prefetch = 0 : i64, scratch_operands = 29 : i64, tpu.core_type = #tpu.core_type<sc_vector_subcore>, window_params = [{transform_indices = #map}, {transform_indices = #map}, {transform_indices = #map}, {transform_indices = #map}]} {
    %mul3A = arith.constant 16 : i32
    %mul3A_0 = arith.muli %arg0, %mul3A : i32
    %add3A = arith.addi %mul3A_0, %arg1 : i32
    %broadcast_in_dim3A = arith.constant 0.000000e+00 : f32
    %broadcast_in_dim3A_1 = vector.broadcast %broadcast_in_dim3A : f32 to vector<16xf32>
    %broadcast_in_dim3A_2 = arith.constant 1.000000e+00 : f32
    %broadcast_in_dim3A_3 = vector.broadcast %broadcast_in_dim3A_2 : f32 to vector<16xf32>
    %mul3A_4 = arith.constant 10000 : i32
    %mul3A_5 = arith.muli %add3A, %mul3A_4 : i32
    %dma_start3A = tpu.memref_slice %arg2[%mul3A_5] : memref<640000xi32, #tpu.memory_space<hbm>> -> memref<10000xi32, #tpu.memory_space<hbm>>
    %dma_start3A_6 = tpu.memref_slice %arg2[%mul3A_5] : memref<640000xi32, #tpu.memory_space<hbm>> -> memref<10000xi32, #tpu.memory_space<hbm>>
    tpu.enqueue_dma source(%dma_start3A_6 : memref<10000xi32, #tpu.memory_space<hbm>>) target(%arg7 : memref<10000xi32, #tpu.memory_space<vmem>>) target_semaphore(%arg21 : memref<!tpu.dma_semaphore, #tpu.memory_space<semaphore_mem>>)
    %mul3A_7 = arith.constant 10000 : i32
    %mul3A_8 = arith.muli %add3A, %mul3A_7 : i32
    %add3A_9 = arith.constant 320000 : i32
    %add3A_10 = arith.addi %add3A_9, %mul3A_8 : i32
    %dma_start3A_11 = tpu.memref_slice %arg2[%add3A_10] : memref<640000xi32, #tpu.memory_space<hbm>> -> memref<10000xi32, #tpu.memory_space<hbm>>
    %dma_start3A_12 = tpu.memref_slice %arg2[%add3A_10] : memref<640000xi32, #tpu.memory_space<hbm>> -> memref<10000xi32, #tpu.memory_space<hbm>>
    tpu.enqueue_dma source(%dma_start3A_12 : memref<10000xi32, #tpu.memory_space<hbm>>) target(%arg6 : memref<10000xi32, #tpu.memory_space<vmem>>) target_semaphore(%arg22 : memref<!tpu.dma_semaphore, #tpu.memory_space<semaphore_mem>>)
    %dma_start3A_13 = arith.constant 0 : i32
    %dma_start3A_14 = tpu.memref_slice %arg8[%dma_start3A_13] : memref<10240xi32, #tpu.memory_space<vmem>> -> memref<10000xi32, #tpu.memory_space<vmem>>
    %dma_start3A_15 = arith.constant 0 : i32
    %dma_start3A_16 = tpu.memref_slice %arg8[%dma_start3A_15] : memref<10240xi32, #tpu.memory_space<vmem>> -> memref<10000xi32, #tpu.memory_space<vmem>>
    tpu.enqueue_dma source(%arg3 : memref<10000xi32, #tpu.memory_space<hbm>>) target(%dma_start3A_16 : memref<10000xi32, #tpu.memory_space<vmem>>) target_semaphore(%arg23 : memref<!tpu.dma_semaphore, #tpu.memory_space<semaphore_mem>>)
    %mul3A_17 = arith.constant 20000 : i32
    %mul3A_18 = arith.muli %arg1, %mul3A_17 : i32
    %add3A_19 = arith.constant 320000 : i32
    %add3A_20 = arith.addi %add3A_19, %mul3A_18 : i32
    %dma_start3A_21 = tpu.memref_slice %arg2[%add3A_20] : memref<640000xi32, #tpu.memory_space<hbm>> -> memref<4000xi32, #tpu.memory_space<hbm>>
    %dma_start3A_22 = tpu.memref_slice %arg2[%add3A_20] : memref<640000xi32, #tpu.memory_space<hbm>> -> memref<4000xi32, #tpu.memory_space<hbm>>
    tpu.enqueue_dma source(%dma_start3A_22 : memref<4000xi32, #tpu.memory_space<hbm>>) target(%arg13 : memref<4000xi32, #tpu.memory_space<vmem>>) target_semaphore(%arg24 : memref<!tpu.dma_semaphore, #tpu.memory_space<semaphore_mem>>)
    %scan3A = arith.constant 0 : i32
    %scan3A_23 = arith.constant 640 : i32
    %scan3A_24 = arith.addi %scan3A, %scan3A_23 : i32
    %scan3A_25 = arith.constant 1 : i32
    scf.for %scan3A_252 = %scan3A to %scan3A_24 step %scan3A_25  : i32 {
      %mul3A_253 = arith.constant 16 : i32
      %mul3A_254 = arith.muli %scan3A_252, %mul3A_253 : i32
      %swap3A = arith.index_cast %mul3A_254 : i32 to index
      %swap3A_255 = tpu.vector_load %arg11[%swap3A] {strides = array<i32>} : memref<10240xf32, #tpu.memory_space<vmem>>, vector<16xf32>,
      tpu.vector_store %arg11[%swap3A], %broadcast_in_dim3A_1 {strides = array<i32>} : memref<10240xf32, #tpu.memory_space<vmem>>, vector<16xf32>,
    }
    %scan3A_26 = arith.constant 640 : i32
    %scan3A_27 = arith.constant 0 : i32
    %scan3A_28 = arith.constant 250 : i32
    %scan3A_29 = arith.addi %scan3A_27, %scan3A_28 : i32
    %scan3A_30 = arith.constant 1 : i32
    scf.for %scan3A_252 = %scan3A_27 to %scan3A_29 step %scan3A_30  : i32 {
      %mul3A_253 = arith.constant 16 : i32
      %mul3A_254 = arith.muli %scan3A_252, %mul3A_253 : i32
      %swap3A = arith.index_cast %mul3A_254 : i32 to index
      %swap3A_255 = tpu.vector_load %arg12[%swap3A] {strides = array<i32>} : memref<4000xf32, #tpu.memory_space<vmem>>, vector<16xf32>,
      tpu.vector_store %arg12[%swap3A], %broadcast_in_dim3A_3 {strides = array<i32>} : memref<4000xf32, #tpu.memory_space<vmem>>, vector<16xf32>,
    }
    %scan3A_31 = arith.constant 250 : i32
    %mul3A_32 = arith.constant 640 : i32
    %mul3A_33 = arith.muli %arg1, %mul3A_32 : i32
    "tpu.region"() ({
      %run_scoped3A = tpu.sem_alloc : memref<!tpu.dma_semaphore, #tpu.memory_space<semaphore_mem>>
      %dma_start3A_252 = arith.constant 0 : i32
      %dma_start3A_253 = tpu.memref_slice %arg11[%dma_start3A_252] : memref<10240xf32, #tpu.memory_space<vmem>> -> memref<640xf32, #tpu.memory_space<vmem>>
      %dma_start3A_254 = tpu.memref_slice %arg32[%mul3A_33] : memref<10240xf32, #tpu.memory_space<vmem_shared>> -> memref<640xf32, #tpu.memory_space<vmem_shared>>
      %dma_start3A_255 = tpu.memref_slice %arg32[%mul3A_33] : memref<10240xf32, #tpu.memory_space<vmem_shared>> -> memref<640xf32, #tpu.memory_space<vmem_shared>>
      %dma_start3A_256 = arith.constant 0 : i32
      %dma_start3A_257 = tpu.memref_slice %arg11[%dma_start3A_256] : memref<10240xf32, #tpu.memory_space<vmem>> -> memref<640xf32, #tpu.memory_space<vmem>>
      tpu.enqueue_dma source(%dma_start3A_257 : memref<640xf32, #tpu.memory_space<vmem>>) target(%dma_start3A_255 : memref<640xf32, #tpu.memory_space<vmem_shared>>) target_semaphore(%run_scoped3A : memref<!tpu.dma_semaphore, #tpu.memory_space<semaphore_mem>>)
      %dma_wait3A_258 = arith.constant 0 : i32
      %dma_wait3A_259 = tpu.memref_slice %arg11[%dma_wait3A_258] : memref<10240xf32, #tpu.memory_space<vmem>> -> memref<640xf32, #tpu.memory_space<vmem>>
      %dma_wait3A_260 = tpu.memref_slice %arg32[%mul3A_33] : memref<10240xf32, #tpu.memory_space<vmem_shared>> -> memref<640xf32, #tpu.memory_space<vmem_shared>>
      %dma_wait3A_261 = tpu.memref_slice %arg32[%mul3A_33] : memref<10240xf32, #tpu.memory_space<vmem_shared>> -> memref<640xf32, #tpu.memory_space<vmem_shared>>
      %dma_wait3A_262 = arith.constant 0 : i32
      %dma_wait3A_263 = tpu.memref_slice %arg11[%dma_wait3A_262] : memref<10240xf32, #tpu.memory_space<vmem>> -> memref<640xf32, #tpu.memory_space<vmem>>
      tpu.wait_dma2 semaphore(%run_scoped3A : memref<!tpu.dma_semaphore, #tpu.memory_space<semaphore_mem>>) src(%dma_wait3A_263 : memref<640xf32, #tpu.memory_space<vmem>>) dst(%dma_wait3A_261 : memref<640xf32, #tpu.memory_space<vmem_shared>>)
      tpu.yield
    }) : () -> ()
    %mul3A_34 = arith.constant 40960 : i32
    %mul3A_35 = arith.muli %arg1, %mul3A_34 : i32
    %add3A_36 = arith.constant 0 : i32
    %add3A_37 = arith.addi %mul3A_35, %add3A_36 : i32
    "tpu.region"() ({
      %run_scoped3A = tpu.sem_alloc : memref<!tpu.dma_semaphore, #tpu.memory_space<semaphore_mem>>
      %dma_start3A_252 = tpu.memref_slice %arg34[%add3A_37] : memref<655488xf32, #tpu.memory_space<vmem_shared>> -> memref<10240xf32, #tpu.memory_space<vmem_shared>>
      %dma_start3A_253 = tpu.memref_slice %arg34[%add3A_37] : memref<655488xf32, #tpu.memory_space<vmem_shared>> -> memref<10240xf32, #tpu.memory_space<vmem_shared>>
      tpu.enqueue_dma source(%arg11 : memref<10240xf32, #tpu.memory_space<vmem>>) target(%dma_start3A_253 : memref<10240xf32, #tpu.memory_space<vmem_shared>>) target_semaphore(%run_scoped3A : memref<!tpu.dma_semaphore, #tpu.memory_space<semaphore_mem>>)
      %dma_wait3A_254 = tpu.memref_slice %arg34[%add3A_37] : memref<655488xf32, #tpu.memory_space<vmem_shared>> -> memref<10240xf32, #tpu.memory_space<vmem_shared>>
      %dma_wait3A_255 = tpu.memref_slice %arg34[%add3A_37] : memref<655488xf32, #tpu.memory_space<vmem_shared>> -> memref<10240xf32, #tpu.memory_space<vmem_shared>>
      tpu.wait_dma2 semaphore(%run_scoped3A : memref<!tpu.dma_semaphore, #tpu.memory_space<semaphore_mem>>) src(%arg11 : memref<10240xf32, #tpu.memory_space<vmem>>) dst(%dma_wait3A_255 : memref<10240xf32, #tpu.memory_space<vmem_shared>>)
      tpu.yield
    }) : () -> ()
    %mul3A_38 = arith.constant 40960 : i32
    %mul3A_39 = arith.muli %arg1, %mul3A_38 : i32
    %add3A_40 = arith.constant 10240 : i32
    %add3A_41 = arith.addi %mul3A_39, %add3A_40 : i32
    "tpu.region"() ({
      %run_scoped3A = tpu.sem_alloc : memref<!tpu.dma_semaphore, #tpu.memory_space<semaphore_mem>>
      %dma_start3A_252 = tpu.memref_slice %arg34[%add3A_41] : memref<655488xf32, #tpu.memory_space<vmem_shared>> -> memref<10240xf32, #tpu.memory_space<vmem_shared>>
      %dma_start3A_253 = tpu.memref_slice %arg34[%add3A_41] : memref<655488xf32, #tpu.memory_space<vmem_shared>> -> memref<10240xf32, #tpu.memory_space<vmem_shared>>
      tpu.enqueue_dma source(%arg11 : memref<10240xf32, #tpu.memory_space<vmem>>) target(%dma_start3A_253 : memref<10240xf32, #tpu.memory_space<vmem_shared>>) target_semaphore(%run_scoped3A : memref<!tpu.dma_semaphore, #tpu.memory_space<semaphore_mem>>)
      %dma_wait3A_254 = tpu.memref_slice %arg34[%add3A_41] : memref<655488xf32, #tpu.memory_space<vmem_shared>> -> memref<10240xf32, #tpu.memory_space<vmem_shared>>
      %dma_wait3A_255 = tpu.memref_slice %arg34[%add3A_41] : memref<655488xf32, #tpu.memory_space<vmem_shared>> -> memref<10240xf32, #tpu.memory_space<vmem_shared>>
      tpu.wait_dma2 semaphore(%run_scoped3A : memref<!tpu.dma_semaphore, #tpu.memory_space<semaphore_mem>>) src(%arg11 : memref<10240xf32, #tpu.memory_space<vmem>>) dst(%dma_wait3A_255 : memref<10240xf32, #tpu.memory_space<vmem_shared>>)
      tpu.yield
    }) : () -> ()
    %mul3A_42 = arith.constant 40960 : i32
    %mul3A_43 = arith.muli %arg1, %mul3A_42 : i32
    %add3A_44 = arith.constant 20480 : i32
    %add3A_45 = arith.addi %mul3A_43, %add3A_44 : i32
    "tpu.region"() ({
      %run_scoped3A = tpu.sem_alloc : memref<!tpu.dma_semaphore, #tpu.memory_space<semaphore_mem>>
      %dma_start3A_252 = tpu.memref_slice %arg34[%add3A_45] : memref<655488xf32, #tpu.memory_space<vmem_shared>> -> memref<10240xf32, #tpu.memory_space<vmem_shared>>
      %dma_start3A_253 = tpu.memref_slice %arg34[%add3A_45] : memref<655488xf32, #tpu.memory_space<vmem_shared>> -> memref<10240xf32, #tpu.memory_space<vmem_shared>>
      tpu.enqueue_dma source(%arg11 : memref<10240xf32, #tpu.memory_space<vmem>>) target(%dma_start3A_253 : memref<10240xf32, #tpu.memory_space<vmem_shared>>) target_semaphore(%run_scoped3A : memref<!tpu.dma_semaphore, #tpu.memory_space<semaphore_mem>>)
      %dma_wait3A_254 = tpu.memref_slice %arg34[%add3A_45] : memref<655488xf32, #tpu.memory_space<vmem_shared>> -> memref<10240xf32, #tpu.memory_space<vmem_shared>>
      %dma_wait3A_255 = tpu.memref_slice %arg34[%add3A_45] : memref<655488xf32, #tpu.memory_space<vmem_shared>> -> memref<10240xf32, #tpu.memory_space<vmem_shared>>
      tpu.wait_dma2 semaphore(%run_scoped3A : memref<!tpu.dma_semaphore, #tpu.memory_space<semaphore_mem>>) src(%arg11 : memref<10240xf32, #tpu.memory_space<vmem>>) dst(%dma_wait3A_255 : memref<10240xf32, #tpu.memory_space<vmem_shared>>)
      tpu.yield
    }) : () -> ()
    %mul3A_46 = arith.constant 40960 : i32
    %mul3A_47 = arith.muli %arg1, %mul3A_46 : i32
    %add3A_48 = arith.constant 30720 : i32
    %add3A_49 = arith.addi %mul3A_47, %add3A_48 : i32
    "tpu.region"() ({
      %run_scoped3A = tpu.sem_alloc : memref<!tpu.dma_semaphore, #tpu.memory_space<semaphore_mem>>
      %dma_start3A_252 = tpu.memref_slice %arg34[%add3A_49] : memref<655488xf32, #tpu.memory_space<vmem_shared>> -> memref<10240xf32, #tpu.memory_space<vmem_shared>>
      %dma_start3A_253 = tpu.memref_slice %arg34[%add3A_49] : memref<655488xf32, #tpu.memory_space<vmem_shared>> -> memref<10240xf32, #tpu.memory_space<vmem_shared>>
      tpu.enqueue_dma source(%arg11 : memref<10240xf32, #tpu.memory_space<vmem>>) target(%dma_start3A_253 : memref<10240xf32, #tpu.memory_space<vmem_shared>>) target_semaphore(%run_scoped3A : memref<!tpu.dma_semaphore, #tpu.memory_space<semaphore_mem>>)
      %dma_wait3A_254 = tpu.memref_slice %arg34[%add3A_49] : memref<655488xf32, #tpu.memory_space<vmem_shared>> -> memref<10240xf32, #tpu.memory_space<vmem_shared>>
      %dma_wait3A_255 = tpu.memref_slice %arg34[%add3A_49] : memref<655488xf32, #tpu.memory_space<vmem_shared>> -> memref<10240xf32, #tpu.memory_space<vmem_shared>>
      tpu.wait_dma2 semaphore(%run_scoped3A : memref<!tpu.dma_semaphore, #tpu.memory_space<semaphore_mem>>) src(%arg11 : memref<10240xf32, #tpu.memory_space<vmem>>) dst(%dma_wait3A_255 : memref<10240xf32, #tpu.memory_space<vmem_shared>>)
      tpu.yield
    }) : () -> ()
    %eq3A = arith.constant 0 : i32
    %eq3A_50 = arith.cmpi eq, %arg1, %eq3A : i32
    %convert_element_type3A = arith.extui %eq3A_50 : i1 to i32
    %cond3A = arith.constant 0 : i32
    %cond3A_51 = arith.cmpi ne, %convert_element_type3A, %cond3A : i32
    scf.if %cond3A_51 {
      "tpu.region"() ({
        %run_scoped3A = tpu.sem_alloc : memref<!tpu.dma_semaphore, #tpu.memory_space<semaphore_mem>>
        %dma_start3A_252 = arith.constant 0 : i32
        %dma_start3A_253 = tpu.memref_slice %arg11[%dma_start3A_252] : memref<10240xf32, #tpu.memory_space<vmem>> -> memref<128xf32, #tpu.memory_space<vmem>>
        %dma_start3A_254 = arith.constant 655360 : i32
        %dma_start3A_255 = tpu.memref_slice %arg34[%dma_start3A_254] : memref<655488xf32, #tpu.memory_space<vmem_shared>> -> memref<128xf32, #tpu.memory_space<vmem_shared>>
        %dma_start3A_256 = arith.constant 655360 : i32
        %dma_start3A_257 = tpu.memref_slice %arg34[%dma_start3A_256] : memref<655488xf32, #tpu.memory_space<vmem_shared>> -> memref<128xf32, #tpu.memory_space<vmem_shared>>
        %dma_start3A_258 = arith.constant 0 : i32
        %dma_start3A_259 = tpu.memref_slice %arg11[%dma_start3A_258] : memref<10240xf32, #tpu.memory_space<vmem>> -> memref<128xf32, #tpu.memory_space<vmem>>
        tpu.enqueue_dma source(%dma_start3A_259 : memref<128xf32, #tpu.memory_space<vmem>>) target(%dma_start3A_257 : memref<128xf32, #tpu.memory_space<vmem_shared>>) target_semaphore(%run_scoped3A : memref<!tpu.dma_semaphore, #tpu.memory_space<semaphore_mem>>)
        %dma_wait3A_260 = arith.constant 0 : i32
        %dma_wait3A_261 = tpu.memref_slice %arg11[%dma_wait3A_260] : memref<10240xf32, #tpu.memory_space<vmem>> -> memref<128xf32, #tpu.memory_space<vmem>>
        %dma_wait3A_262 = arith.constant 655360 : i32
        %dma_wait3A_263 = tpu.memref_slice %arg34[%dma_wait3A_262] : memref<655488xf32, #tpu.memory_space<vmem_shared>> -> memref<128xf32, #tpu.memory_space<vmem_shared>>
        %dma_wait3A_264 = arith.constant 655360 : i32
        %dma_wait3A_265 = tpu.memref_slice %arg34[%dma_wait3A_264] : memref<655488xf32, #tpu.memory_space<vmem_shared>> -> memref<128xf32, #tpu.memory_space<vmem_shared>>
        %dma_wait3A_266 = arith.constant 0 : i32
        %dma_wait3A_267 = tpu.memref_slice %arg11[%dma_wait3A_266] : memref<10240xf32, #tpu.memory_space<vmem>> -> memref<128xf32, #tpu.memory_space<vmem>>
        tpu.wait_dma2 semaphore(%run_scoped3A : memref<!tpu.dma_semaphore, #tpu.memory_space<semaphore_mem>>) src(%dma_wait3A_267 : memref<128xf32, #tpu.memory_space<vmem>>) dst(%dma_wait3A_265 : memref<128xf32, #tpu.memory_space<vmem_shared>>)
        tpu.yield
      }) : () -> ()
    } else {
    }
    %barrier3A = arith.constant 0 : index
    tpu.barrier barrier_id(%barrier3A)
    %dma_wait3A = tpu.memref_slice %arg2[%add3A_20] : memref<640000xi32, #tpu.memory_space<hbm>> -> memref<4000xi32, #tpu.memory_space<hbm>>
    %dma_wait3A_52 = tpu.memref_slice %arg2[%add3A_20] : memref<640000xi32, #tpu.memory_space<hbm>> -> memref<4000xi32, #tpu.memory_space<hbm>>
    tpu.wait_dma2 semaphore(%arg24 : memref<!tpu.dma_semaphore, #tpu.memory_space<semaphore_mem>>) src(%dma_wait3A_52 : memref<4000xi32, #tpu.memory_space<hbm>>) dst(%arg13 : memref<4000xi32, #tpu.memory_space<vmem>>)
    %mul3A_53 = arith.constant 20000 : i32
    %mul3A_54 = arith.muli %arg1, %mul3A_53 : i32
    %add3A_55 = arith.constant 320000 : i32
    %add3A_56 = arith.addi %add3A_55, %mul3A_54 : i32
    %add3A_57 = arith.constant 4000 : i32
    %add3A_58 = arith.addi %add3A_56, %add3A_57 : i32
    %dma_start3A_59 = tpu.memref_slice %arg2[%add3A_58] : memref<640000xi32, #tpu.memory_space<hbm>> -> memref<4000xi32, #tpu.memory_space<hbm>>
    %dma_start3A_60 = tpu.memref_slice %arg2[%add3A_58] : memref<640000xi32, #tpu.memory_space<hbm>> -> memref<4000xi32, #tpu.memory_space<hbm>>
    tpu.enqueue_dma source(%dma_start3A_60 : memref<4000xi32, #tpu.memory_space<hbm>>) target(%arg14 : memref<4000xi32, #tpu.memory_space<vmem>>) target_semaphore(%arg25 : memref<!tpu.dma_semaphore, #tpu.memory_space<semaphore_mem>>)
    %dma_start3A_61 = arith.constant 0 : i32
    %dma_start3A_62 = tpu.memref_slice %arg32[%dma_start3A_61] : memref<10240xf32, #tpu.memory_space<vmem_shared>> -> memref<10240xf32, #tpu.memory_space<vmem_shared>>
    tpu.enqueue_indirect_dma source(%arg12 : memref<4000xf32, #tpu.memory_space<vmem>>) target(%dma_start3A_62 : memref<10240xf32, #tpu.memory_space<vmem_shared>>) offsets(%arg13 : memref<4000xi32, #tpu.memory_space<vmem>>) semaphore(%arg26 : memref<!tpu.dma_semaphore, #tpu.memory_space<semaphore_mem>>) {add = true}
    %dma_wait3A_63 = tpu.memref_slice %arg2[%add3A_58] : memref<640000xi32, #tpu.memory_space<hbm>> -> memref<4000xi32, #tpu.memory_space<hbm>>
    %dma_wait3A_64 = tpu.memref_slice %arg2[%add3A_58] : memref<640000xi32, #tpu.memory_space<hbm>> -> memref<4000xi32, #tpu.memory_space<hbm>>
    tpu.wait_dma2 semaphore(%arg25 : memref<!tpu.dma_semaphore, #tpu.memory_space<semaphore_mem>>) src(%dma_wait3A_64 : memref<4000xi32, #tpu.memory_space<hbm>>) dst(%arg14 : memref<4000xi32, #tpu.memory_space<vmem>>)
    %dma_wait3A_65 = arith.constant 0 : i32
    %dma_wait3A_66 = tpu.memref_slice %arg32[%dma_wait3A_65] : memref<10240xf32, #tpu.memory_space<vmem_shared>> -> memref<10240xf32, #tpu.memory_space<vmem_shared>>
    tpu.wait_indirect_dma semaphore(%arg26 : memref<!tpu.dma_semaphore, #tpu.memory_space<semaphore_mem>>) src(%arg12 : memref<4000xf32, #tpu.memory_space<vmem>>) dst(%dma_wait3A_66 : memref<10240xf32, #tpu.memory_space<vmem_shared>>)
    %mul3A_67 = arith.constant 20000 : i32
    %mul3A_68 = arith.muli %arg1, %mul3A_67 : i32
    %add3A_69 = arith.constant 320000 : i32
    %add3A_70 = arith.addi %add3A_69, %mul3A_68 : i32
    %add3A_71 = arith.constant 8000 : i32
    %add3A_72 = arith.addi %add3A_70, %add3A_71 : i32
    %dma_start3A_73 = tpu.memref_slice %arg2[%add3A_72] : memref<640000xi32, #tpu.memory_space<hbm>> -> memref<4000xi32, #tpu.memory_space<hbm>>
    %dma_start3A_74 = tpu.memref_slice %arg2[%add3A_72] : memref<640000xi32, #tpu.memory_space<hbm>> -> memref<4000xi32, #tpu.memory_space<hbm>>
    tpu.enqueue_dma source(%dma_start3A_74 : memref<4000xi32, #tpu.memory_space<hbm>>) target(%arg13 : memref<4000xi32, #tpu.memory_space<vmem>>) target_semaphore(%arg24 : memref<!tpu.dma_semaphore, #tpu.memory_space<semaphore_mem>>)
    %dma_start3A_75 = arith.constant 0 : i32
    %dma_start3A_76 = tpu.memref_slice %arg32[%dma_start3A_75] : memref<10240xf32, #tpu.memory_space<vmem_shared>> -> memref<10240xf32, #tpu.memory_space<vmem_shared>>
    tpu.enqueue_indirect_dma source(%arg12 : memref<4000xf32, #tpu.memory_space<vmem>>) target(%dma_start3A_76 : memref<10240xf32, #tpu.memory_space<vmem_shared>>) offsets(%arg14 : memref<4000xi32, #tpu.memory_space<vmem>>) semaphore(%arg27 : memref<!tpu.dma_semaphore, #tpu.memory_space<semaphore_mem>>) {add = true}
    %dma_wait3A_77 = tpu.memref_slice %arg2[%add3A_72] : memref<640000xi32, #tpu.memory_space<hbm>> -> memref<4000xi32, #tpu.memory_space<hbm>>
    %dma_wait3A_78 = tpu.memref_slice %arg2[%add3A_72] : memref<640000xi32, #tpu.memory_space<hbm>> -> memref<4000xi32, #tpu.memory_space<hbm>>
    tpu.wait_dma2 semaphore(%arg24 : memref<!tpu.dma_semaphore, #tpu.memory_space<semaphore_mem>>) src(%dma_wait3A_78 : memref<4000xi32, #tpu.memory_space<hbm>>) dst(%arg13 : memref<4000xi32, #tpu.memory_space<vmem>>)
    %dma_wait3A_79 = arith.constant 0 : i32
    %dma_wait3A_80 = tpu.memref_slice %arg32[%dma_wait3A_79] : memref<10240xf32, #tpu.memory_space<vmem_shared>> -> memref<10240xf32, #tpu.memory_space<vmem_shared>>
    tpu.wait_indirect_dma semaphore(%arg27 : memref<!tpu.dma_semaphore, #tpu.memory_space<semaphore_mem>>) src(%arg12 : memref<4000xf32, #tpu.memory_space<vmem>>) dst(%dma_wait3A_80 : memref<10240xf32, #tpu.memory_space<vmem_shared>>)
    %mul3A_81 = arith.constant 20000 : i32
    %mul3A_82 = arith.muli %arg1, %mul3A_81 : i32
    %add3A_83 = arith.constant 320000 : i32
    %add3A_84 = arith.addi %add3A_83, %mul3A_82 : i32
    %add3A_85 = arith.constant 12000 : i32
    %add3A_86 = arith.addi %add3A_84, %add3A_85 : i32
    %dma_start3A_87 = tpu.memref_slice %arg2[%add3A_86] : memref<640000xi32, #tpu.memory_space<hbm>> -> memref<4000xi32, #tpu.memory_space<hbm>>
    %dma_start3A_88 = tpu.memref_slice %arg2[%add3A_86] : memref<640000xi32, #tpu.memory_space<hbm>> -> memref<4000xi32, #tpu.memory_space<hbm>>
    tpu.enqueue_dma source(%dma_start3A_88 : memref<4000xi32, #tpu.memory_space<hbm>>) target(%arg14 : memref<4000xi32, #tpu.memory_space<vmem>>) target_semaphore(%arg25 : memref<!tpu.dma_semaphore, #tpu.memory_space<semaphore_mem>>)
    %dma_start3A_89 = arith.constant 0 : i32
    %dma_start3A_90 = tpu.memref_slice %arg32[%dma_start3A_89] : memref<10240xf32, #tpu.memory_space<vmem_shared>> -> memref<10240xf32, #tpu.memory_space<vmem_shared>>
    tpu.enqueue_indirect_dma source(%arg12 : memref<4000xf32, #tpu.memory_space<vmem>>) target(%dma_start3A_90 : memref<10240xf32, #tpu.memory_space<vmem_shared>>) offsets(%arg13 : memref<4000xi32, #tpu.memory_space<vmem>>) semaphore(%arg26 : memref<!tpu.dma_semaphore, #tpu.memory_space<semaphore_mem>>) {add = true}
    %dma_wait3A_91 = tpu.memref_slice %arg2[%add3A_86] : memref<640000xi32, #tpu.memory_space<hbm>> -> memref<4000xi32, #tpu.memory_space<hbm>>
    %dma_wait3A_92 = tpu.memref_slice %arg2[%add3A_86] : memref<640000xi32, #tpu.memory_space<hbm>> -> memref<4000xi32, #tpu.memory_space<hbm>>
    tpu.wait_dma2 semaphore(%arg25 : memref<!tpu.dma_semaphore, #tpu.memory_space<semaphore_mem>>) src(%dma_wait3A_92 : memref<4000xi32, #tpu.memory_space<hbm>>) dst(%arg14 : memref<4000xi32, #tpu.memory_space<vmem>>)
    %dma_wait3A_93 = arith.constant 0 : i32
    %dma_wait3A_94 = tpu.memref_slice %arg32[%dma_wait3A_93] : memref<10240xf32, #tpu.memory_space<vmem_shared>> -> memref<10240xf32, #tpu.memory_space<vmem_shared>>
    tpu.wait_indirect_dma semaphore(%arg26 : memref<!tpu.dma_semaphore, #tpu.memory_space<semaphore_mem>>) src(%arg12 : memref<4000xf32, #tpu.memory_space<vmem>>) dst(%dma_wait3A_94 : memref<10240xf32, #tpu.memory_space<vmem_shared>>)
    %mul3A_95 = arith.constant 20000 : i32
    %mul3A_96 = arith.muli %arg1, %mul3A_95 : i32
    %add3A_97 = arith.constant 320000 : i32
    %add3A_98 = arith.addi %add3A_97, %mul3A_96 : i32
    %add3A_99 = arith.constant 16000 : i32
    %add3A_100 = arith.addi %add3A_98, %add3A_99 : i32
    %dma_start3A_101 = tpu.memref_slice %arg2[%add3A_100] : memref<640000xi32, #tpu.memory_space<hbm>> -> memref<4000xi32, #tpu.memory_space<hbm>>
    %dma_start3A_102 = tpu.memref_slice %arg2[%add3A_100] : memref<640000xi32, #tpu.memory_space<hbm>> -> memref<4000xi32, #tpu.memory_space<hbm>>
    tpu.enqueue_dma source(%dma_start3A_102 : memref<4000xi32, #tpu.memory_space<hbm>>) target(%arg13 : memref<4000xi32, #tpu.memory_space<vmem>>) target_semaphore(%arg24 : memref<!tpu.dma_semaphore, #tpu.memory_space<semaphore_mem>>)
    %dma_start3A_103 = arith.constant 0 : i32
    %dma_start3A_104 = tpu.memref_slice %arg32[%dma_start3A_103] : memref<10240xf32, #tpu.memory_space<vmem_shared>> -> memref<10240xf32, #tpu.memory_space<vmem_shared>>
    tpu.enqueue_indirect_dma source(%arg12 : memref<4000xf32, #tpu.memory_space<vmem>>) target(%dma_start3A_104 : memref<10240xf32, #tpu.memory_space<vmem_shared>>) offsets(%arg14 : memref<4000xi32, #tpu.memory_space<vmem>>) semaphore(%arg27 : memref<!tpu.dma_semaphore, #tpu.memory_space<semaphore_mem>>) {add = true}
    %dma_wait3A_105 = tpu.memref_slice %arg2[%add3A_100] : memref<640000xi32, #tpu.memory_space<hbm>> -> memref<4000xi32, #tpu.memory_space<hbm>>
    %dma_wait3A_106 = tpu.memref_slice %arg2[%add3A_100] : memref<640000xi32, #tpu.memory_space<hbm>> -> memref<4000xi32, #tpu.memory_space<hbm>>
    tpu.wait_dma2 semaphore(%arg24 : memref<!tpu.dma_semaphore, #tpu.memory_space<semaphore_mem>>) src(%dma_wait3A_106 : memref<4000xi32, #tpu.memory_space<hbm>>) dst(%arg13 : memref<4000xi32, #tpu.memory_space<vmem>>)
    %dma_start3A_107 = arith.constant 0 : i32
    %dma_start3A_108 = tpu.memref_slice %arg32[%dma_start3A_107] : memref<10240xf32, #tpu.memory_space<vmem_shared>> -> memref<10240xf32, #tpu.memory_space<vmem_shared>>
    tpu.enqueue_indirect_dma source(%arg12 : memref<4000xf32, #tpu.memory_space<vmem>>) target(%dma_start3A_108 : memref<10240xf32, #tpu.memory_space<vmem_shared>>) offsets(%arg13 : memref<4000xi32, #tpu.memory_space<vmem>>) semaphore(%arg26 : memref<!tpu.dma_semaphore, #tpu.memory_space<semaphore_mem>>) {add = true}
    %dma_wait3A_109 = arith.constant 0 : i32
    %dma_wait3A_110 = tpu.memref_slice %arg32[%dma_wait3A_109] : memref<10240xf32, #tpu.memory_space<vmem_shared>> -> memref<10240xf32, #tpu.memory_space<vmem_shared>>
    tpu.wait_indirect_dma semaphore(%arg27 : memref<!tpu.dma_semaphore, #tpu.memory_space<semaphore_mem>>) src(%arg12 : memref<4000xf32, #tpu.memory_space<vmem>>) dst(%dma_wait3A_110 : memref<10240xf32, #tpu.memory_space<vmem_shared>>)
    %dma_wait3A_111 = arith.constant 0 : i32
    %dma_wait3A_112 = tpu.memref_slice %arg32[%dma_wait3A_111] : memref<10240xf32, #tpu.memory_space<vmem_shared>> -> memref<10240xf32, #tpu.memory_space<vmem_shared>>
    tpu.wait_indirect_dma semaphore(%arg26 : memref<!tpu.dma_semaphore, #tpu.memory_space<semaphore_mem>>) src(%arg12 : memref<4000xf32, #tpu.memory_space<vmem>>) dst(%dma_wait3A_112 : memref<10240xf32, #tpu.memory_space<vmem_shared>>)
    %barrier3A_113 = arith.constant 0 : index
    tpu.barrier barrier_id(%barrier3A_113)
    %mul3A_114 = arith.constant 640 : i32
    %mul3A_115 = arith.muli %arg1, %mul3A_114 : i32
    "tpu.region"() ({
      %run_scoped3A = tpu.sem_alloc : memref<!tpu.dma_semaphore, #tpu.memory_space<semaphore_mem>>
      %dma_start3A_252 = tpu.memref_slice %arg32[%mul3A_115] : memref<10240xf32, #tpu.memory_space<vmem_shared>> -> memref<640xf32, #tpu.memory_space<vmem_shared>>
      %dma_start3A_253 = tpu.memref_slice %arg32[%mul3A_115] : memref<10240xf32, #tpu.memory_space<vmem_shared>> -> memref<640xf32, #tpu.memory_space<vmem_shared>>
      tpu.enqueue_dma source(%dma_start3A_253 : memref<640xf32, #tpu.memory_space<vmem_shared>>) target(%arg10 : memref<640xf32, #tpu.memory_space<vmem>>) target_semaphore(%run_scoped3A : memref<!tpu.dma_semaphore, #tpu.memory_space<semaphore_mem>>)
      %dma_wait3A_254 = tpu.memref_slice %arg32[%mul3A_115] : memref<10240xf32, #tpu.memory_space<vmem_shared>> -> memref<640xf32, #tpu.memory_space<vmem_shared>>
      %dma_wait3A_255 = tpu.memref_slice %arg32[%mul3A_115] : memref<10240xf32, #tpu.memory_space<vmem_shared>> -> memref<640xf32, #tpu.memory_space<vmem_shared>>
      tpu.wait_dma2 semaphore(%run_scoped3A : memref<!tpu.dma_semaphore, #tpu.memory_space<semaphore_mem>>) src(%dma_wait3A_255 : memref<640xf32, #tpu.memory_space<vmem_shared>>) dst(%arg10 : memref<640xf32, #tpu.memory_space<vmem>>)
      tpu.yield
    }) : () -> ()
    %scan3A_116 = arith.constant 0 : i32
    %scan3A_117 = arith.constant 40 : i32
    %scan3A_118 = arith.addi %scan3A_116, %scan3A_117 : i32
    %scan3A_119 = arith.constant 1 : i32
    scf.for %scan3A_252 = %scan3A_116 to %scan3A_118 step %scan3A_119  : i32 {
      %mul3A_253 = arith.constant 16 : i32
      %mul3A_254 = arith.muli %scan3A_252, %mul3A_253 : i32
      %get3A = arith.index_cast %mul3A_254 : i32 to index
      %get3A_255 = tpu.vector_load %arg10[%get3A] {strides = array<i32>} : memref<640xf32, #tpu.memory_space<vmem>>, vector<16xf32>,
      %add3A_256 = arith.addf %get3A_255, %broadcast_in_dim3A_3 : vector<16xf32>
      %broadcast_in_dim3A_257 = arith.constant 1597463007 : i32
      %broadcast_in_dim3A_258 = vector.broadcast %broadcast_in_dim3A_257 : i32 to vector<16xi32>
      %broadcast_in_dim3A_259 = arith.constant 5.000000e-01 : f32
      %broadcast_in_dim3A_260 = vector.broadcast %broadcast_in_dim3A_259 : f32 to vector<16xf32>
      %mul3A_261 = arith.mulf %add3A_256, %broadcast_in_dim3A_260 : vector<16xf32>
      %broadcast_in_dim3A_262 = arith.constant 1.500000e+00 : f32
      %broadcast_in_dim3A_263 = vector.broadcast %broadcast_in_dim3A_262 : f32 to vector<16xf32>
      %bitcast3A = vector.bitcast %add3A_256 : vector<16xf32> to vector<16xi32>
      %shift_right_arithmetic3A = arith.constant 1 : i32
      %shift_right_arithmetic3A_264 = vector.broadcast %shift_right_arithmetic3A : i32 to vector<16xi32>
      %shift_right_arithmetic3A_265 = arith.shrsi %bitcast3A, %shift_right_arithmetic3A_264 : vector<16xi32>
      %sub3A = arith.subi %broadcast_in_dim3A_258, %shift_right_arithmetic3A_265 : vector<16xi32>
      %bitcast3A_266 = vector.bitcast %sub3A : vector<16xi32> to vector<16xf32>
      %mul3A_267 = arith.mulf %mul3A_261, %bitcast3A_266 : vector<16xf32>
      %mul3A_268 = arith.mulf %mul3A_267, %bitcast3A_266 : vector<16xf32>
      %sub3A_269 = arith.subf %broadcast_in_dim3A_263, %mul3A_268 : vector<16xf32>
      %mul3A_270 = arith.mulf %bitcast3A_266, %sub3A_269 : vector<16xf32>
      %mul3A_271 = arith.mulf %mul3A_261, %mul3A_270 : vector<16xf32>
      %mul3A_272 = arith.mulf %mul3A_271, %mul3A_270 : vector<16xf32>
      %sub3A_273 = arith.subf %broadcast_in_dim3A_263, %mul3A_272 : vector<16xf32>
      %mul3A_274 = arith.mulf %mul3A_270, %sub3A_273 : vector<16xf32>
      %mul3A_275 = arith.mulf %mul3A_261, %mul3A_274 : vector<16xf32>
      %mul3A_276 = arith.mulf %mul3A_275, %mul3A_274 : vector<16xf32>
      %sub3A_277 = arith.subf %broadcast_in_dim3A_263, %mul3A_276 : vector<16xf32>
      %mul3A_278 = arith.mulf %mul3A_274, %sub3A_277 : vector<16xf32>
      %mul3A_279 = arith.constant 16 : i32
      %mul3A_280 = arith.muli %scan3A_252, %mul3A_279 : i32
      %swap3A = arith.index_cast %mul3A_280 : i32 to index
      %swap3A_281 = tpu.vector_load %arg10[%swap3A] {strides = array<i32>} : memref<640xf32, #tpu.memory_space<vmem>>, vector<16xf32>,
      tpu.vector_store %arg10[%swap3A], %mul3A_278 {strides = array<i32>} : memref<640xf32, #tpu.memory_space<vmem>>, vector<16xf32>,
    }
    %scan3A_120 = arith.constant 40 : i32
    %mul3A_121 = arith.constant 640 : i32
    %mul3A_122 = arith.muli %arg1, %mul3A_121 : i32
    "tpu.region"() ({
      %run_scoped3A = tpu.sem_alloc : memref<!tpu.dma_semaphore, #tpu.memory_space<semaphore_mem>>
      %dma_start3A_252 = tpu.memref_slice %arg33[%mul3A_122] : memref<10240xf32, #tpu.memory_space<vmem_shared>> -> memref<640xf32, #tpu.memory_space<vmem_shared>>
      %dma_start3A_253 = tpu.memref_slice %arg33[%mul3A_122] : memref<10240xf32, #tpu.memory_space<vmem_shared>> -> memref<640xf32, #tpu.memory_space<vmem_shared>>
      tpu.enqueue_dma source(%arg10 : memref<640xf32, #tpu.memory_space<vmem>>) target(%dma_start3A_253 : memref<640xf32, #tpu.memory_space<vmem_shared>>) target_semaphore(%run_scoped3A : memref<!tpu.dma_semaphore, #tpu.memory_space<semaphore_mem>>)
      %dma_wait3A_254 = tpu.memref_slice %arg33[%mul3A_122] : memref<10240xf32, #tpu.memory_space<vmem_shared>> -> memref<640xf32, #tpu.memory_space<vmem_shared>>
      %dma_wait3A_255 = tpu.memref_slice %arg33[%mul3A_122] : memref<10240xf32, #tpu.memory_space<vmem_shared>> -> memref<640xf32, #tpu.memory_space<vmem_shared>>
      tpu.wait_dma2 semaphore(%run_scoped3A : memref<!tpu.dma_semaphore, #tpu.memory_space<semaphore_mem>>) src(%arg10 : memref<640xf32, #tpu.memory_space<vmem>>) dst(%dma_wait3A_255 : memref<640xf32, #tpu.memory_space<vmem_shared>>)
      tpu.yield
    }) : () -> ()
    %barrier3A_123 = arith.constant 0 : index
    tpu.barrier barrier_id(%barrier3A_123)
    "tpu.region"() ({
      %run_scoped3A = tpu.sem_alloc : memref<!tpu.dma_semaphore, #tpu.memory_space<semaphore_mem>>
      tpu.enqueue_dma source(%arg33 : memref<10240xf32, #tpu.memory_space<vmem_shared>>) target(%arg9 : memref<10240xf32, #tpu.memory_space<vmem>>) target_semaphore(%run_scoped3A : memref<!tpu.dma_semaphore, #tpu.memory_space<semaphore_mem>>)
      tpu.wait_dma2 semaphore(%run_scoped3A : memref<!tpu.dma_semaphore, #tpu.memory_space<semaphore_mem>>) src(%arg33 : memref<10240xf32, #tpu.memory_space<vmem_shared>>) dst(%arg9 : memref<10240xf32, #tpu.memory_space<vmem>>)
      tpu.yield
    }) : () -> ()
    %dma_wait3A_124 = tpu.memref_slice %arg2[%mul3A_5] : memref<640000xi32, #tpu.memory_space<hbm>> -> memref<10000xi32, #tpu.memory_space<hbm>>
    %dma_wait3A_125 = tpu.memref_slice %arg2[%mul3A_5] : memref<640000xi32, #tpu.memory_space<hbm>> -> memref<10000xi32, #tpu.memory_space<hbm>>
    tpu.wait_dma2 semaphore(%arg21 : memref<!tpu.dma_semaphore, #tpu.memory_space<semaphore_mem>>) src(%dma_wait3A_125 : memref<10000xi32, #tpu.memory_space<hbm>>) dst(%arg7 : memref<10000xi32, #tpu.memory_space<vmem>>)
    %dma_wait3A_126 = tpu.memref_slice %arg2[%add3A_10] : memref<640000xi32, #tpu.memory_space<hbm>> -> memref<10000xi32, #tpu.memory_space<hbm>>
    %dma_wait3A_127 = tpu.memref_slice %arg2[%add3A_10] : memref<640000xi32, #tpu.memory_space<hbm>> -> memref<10000xi32, #tpu.memory_space<hbm>>
    tpu.wait_dma2 semaphore(%arg22 : memref<!tpu.dma_semaphore, #tpu.memory_space<semaphore_mem>>) src(%dma_wait3A_127 : memref<10000xi32, #tpu.memory_space<hbm>>) dst(%arg6 : memref<10000xi32, #tpu.memory_space<vmem>>)
    %dma_wait3A_128 = arith.constant 0 : i32
    %dma_wait3A_129 = tpu.memref_slice %arg8[%dma_wait3A_128] : memref<10240xi32, #tpu.memory_space<vmem>> -> memref<10000xi32, #tpu.memory_space<vmem>>
    %dma_wait3A_130 = arith.constant 0 : i32
    %dma_wait3A_131 = tpu.memref_slice %arg8[%dma_wait3A_130] : memref<10240xi32, #tpu.memory_space<vmem>> -> memref<10000xi32, #tpu.memory_space<vmem>>
    tpu.wait_dma2 semaphore(%arg23 : memref<!tpu.dma_semaphore, #tpu.memory_space<semaphore_mem>>) src(%arg3 : memref<10000xi32, #tpu.memory_space<hbm>>) dst(%dma_wait3A_131 : memref<10000xi32, #tpu.memory_space<vmem>>)
    %broadcast_in_dim3A_132 = arith.constant 10240 : i32
    %broadcast_in_dim3A_133 = vector.broadcast %broadcast_in_dim3A_132 : i32 to vector<16xi32>
    %eq3A_134 = arith.constant 0 : i32
    %eq3A_135 = arith.cmpi eq, %arg0, %eq3A_134 : i32
    %convert_element_type3A_136 = arith.extui %eq3A_135 : i1 to i32
    %cond3A_137 = arith.constant 0 : i32
    %cond3A_138 = arith.cmpi ne, %convert_element_type3A_136, %cond3A_137 : i32
    scf.if %cond3A_138 {
      %broadcast_in_dim3A_252 = arith.constant 10000 : i32
      %broadcast_in_dim3A_253 = vector.broadcast %broadcast_in_dim3A_252 : i32 to vector<16xi32>
      %broadcast_in_dim3A_254 = arith.constant 655360 : i32
      %broadcast_in_dim3A_255 = vector.broadcast %broadcast_in_dim3A_254 : i32 to vector<16xi32>
      %broadcast_in_dim3A_256 = arith.constant 0 : i32
      %broadcast_in_dim3A_257 = vector.broadcast %broadcast_in_dim3A_256 : i32 to vector<16xi32>
      %scan3A_258 = arith.constant 0 : i32
      %scan3A_259 = arith.constant 40 : i32
      %scan3A_260 = arith.addi %scan3A_258, %scan3A_259 : i32
      %scan3A_261 = arith.constant 1 : i32
      scf.for %scan3A_263 = %scan3A_258 to %scan3A_260 step %scan3A_261  : i32 {
        %mul3A_264 = arith.constant 640 : i32
        %mul3A_265 = arith.muli %arg1, %mul3A_264 : i32
        %mul3A_266 = arith.constant 16 : i32
        %mul3A_267 = arith.muli %scan3A_263, %mul3A_266 : i32
        %add3A_268 = arith.addi %mul3A_265, %mul3A_267 : i32
        %iota3A = tpu.iota {dimensions = array<i32: 0>} : vector<16xi32>
        %broadcast_in_dim3A_269 = arith.constant 1 : i32
        %broadcast_in_dim3A_270 = vector.broadcast %broadcast_in_dim3A_269 : i32 to vector<16xi32>
        %mul3A_271 = vector.broadcast %add3A_268 : i32 to vector<16xi32>
        %mul3A_272 = arith.muli %broadcast_in_dim3A_270, %mul3A_271 : vector<16xi32>
        %add3A_273 = arith.addi %iota3A, %mul3A_272 : vector<16xi32>
        %get3A = arith.index_cast %add3A_268 : i32 to index
        %get3A_274 = tpu.vector_load %arg9[%get3A] {strides = array<i32>} : memref<10240xf32, #tpu.memory_space<vmem>>, vector<16xf32>,
        %get3A_275 = arith.index_cast %add3A_268 : i32 to index
        %get3A_276 = tpu.vector_load %arg8[%get3A_275] {strides = array<i32>} : memref<10240xi32, #tpu.memory_space<vmem>>, vector<16xi32>,
        %lt3A = arith.cmpi slt, %add3A_273, %broadcast_in_dim3A_253 : vector<16xi32>
        %mul3A_277 = arith.muli %get3A_276, %broadcast_in_dim3A_133 : vector<16xi32>
        %add3A_278 = arith.addi %mul3A_277, %add3A_273 : vector<16xi32>
        %select_n3A = arith.select %lt3A, %add3A_278, %broadcast_in_dim3A_257 : vector<16xi1>, vector<16xi32>
        %mul3A_279 = arith.constant 2 : i32
        %mul3A_280 = arith.muli %mul3A_279, %scan3A_263 : i32
        %mul3A_281 = arith.constant 16 : i32
        %mul3A_282 = arith.muli %mul3A_280, %mul3A_281 : i32
        %swap3A = arith.index_cast %mul3A_282 : i32 to index
        %swap3A_283 = tpu.vector_load %arg20[%swap3A] {strides = array<i32>} : memref<1280xi32, #tpu.memory_space<vmem>>, vector<16xi32>,
        tpu.vector_store %arg20[%swap3A], %select_n3A {strides = array<i32>} : memref<1280xi32, #tpu.memory_space<vmem>>, vector<16xi32>,
        %mul3A_284 = arith.mulf %get3A_274, %get3A_274 : vector<16xf32>
        %select_n3A_285 = arith.select %lt3A, %mul3A_284, %broadcast_in_dim3A_1 : vector<16xi1>, vector<16xf32>
        %mul3A_286 = arith.constant 2 : i32
        %mul3A_287 = arith.muli %mul3A_286, %scan3A_263 : i32
        %mul3A_288 = arith.constant 16 : i32
        %mul3A_289 = arith.muli %mul3A_287, %mul3A_288 : i32
        %swap3A_290 = arith.index_cast %mul3A_289 : i32 to index
        %swap3A_291 = tpu.vector_load %arg19[%swap3A_290] {strides = array<i32>} : memref<1280xf32, #tpu.memory_space<vmem>>, vector<16xf32>,
        tpu.vector_store %arg19[%swap3A_290], %select_n3A_285 {strides = array<i32>} : memref<1280xf32, #tpu.memory_space<vmem>>, vector<16xf32>,
        %add3A_292 = arith.addi %broadcast_in_dim3A_255, %get3A_276 : vector<16xi32>
        %select_n3A_293 = arith.select %lt3A, %add3A_292, %broadcast_in_dim3A_257 : vector<16xi1>, vector<16xi32>
        %mul3A_294 = arith.constant 2 : i32
        %mul3A_295 = arith.muli %mul3A_294, %scan3A_263 : i32
        %add3A_296 = arith.constant 1 : i32
        %add3A_297 = arith.addi %mul3A_295, %add3A_296 : i32
        %mul3A_298 = arith.constant 16 : i32
        %mul3A_299 = arith.muli %add3A_297, %mul3A_298 : i32
        %swap3A_300 = arith.index_cast %mul3A_299 : i32 to index
        %swap3A_301 = tpu.vector_load %arg20[%swap3A_300] {strides = array<i32>} : memref<1280xi32, #tpu.memory_space<vmem>>, vector<16xi32>,
        tpu.vector_store %arg20[%swap3A_300], %select_n3A_293 {strides = array<i32>} : memref<1280xi32, #tpu.memory_space<vmem>>, vector<16xi32>,
        %select_n3A_302 = arith.select %lt3A, %broadcast_in_dim3A_3, %broadcast_in_dim3A_1 : vector<16xi1>, vector<16xf32>
        %mul3A_303 = arith.constant 2 : i32
        %mul3A_304 = arith.muli %mul3A_303, %scan3A_263 : i32
        %add3A_305 = arith.constant 1 : i32
        %add3A_306 = arith.addi %mul3A_304, %add3A_305 : i32
        %mul3A_307 = arith.constant 16 : i32
        %mul3A_308 = arith.muli %add3A_306, %mul3A_307 : i32
        %swap3A_309 = arith.index_cast %mul3A_308 : i32 to index
        %swap3A_310 = tpu.vector_load %arg19[%swap3A_309] {strides = array<i32>} : memref<1280xf32, #tpu.memory_space<vmem>>, vector<16xf32>,
        tpu.vector_store %arg19[%swap3A_309], %select_n3A_302 {strides = array<i32>} : memref<1280xf32, #tpu.memory_space<vmem>>, vector<16xf32>,
      }
      %scan3A_262 = arith.constant 40 : i32
      "tpu.region"() ({
        %run_scoped3A = tpu.sem_alloc : memref<!tpu.dma_semaphore, #tpu.memory_space<semaphore_mem>>
        %dma_start3A_263 = arith.constant 0 : i32
        %dma_start3A_264 = tpu.memref_slice %arg34[%dma_start3A_263] : memref<655488xf32, #tpu.memory_space<vmem_shared>> -> memref<655488xf32, #tpu.memory_space<vmem_shared>>
        tpu.enqueue_indirect_dma source(%arg19 : memref<1280xf32, #tpu.memory_space<vmem>>) target(%dma_start3A_264 : memref<655488xf32, #tpu.memory_space<vmem_shared>>) offsets(%arg20 : memref<1280xi32, #tpu.memory_space<vmem>>) semaphore(%run_scoped3A : memref<!tpu.dma_semaphore, #tpu.memory_space<semaphore_mem>>) {add = true}
        %dma_wait3A_265 = arith.constant 0 : i32
        %dma_wait3A_266 = tpu.memref_slice %arg34[%dma_wait3A_265] : memref<655488xf32, #tpu.memory_space<vmem_shared>> -> memref<655488xf32, #tpu.memory_space<vmem_shared>>
        tpu.wait_indirect_dma semaphore(%run_scoped3A : memref<!tpu.dma_semaphore, #tpu.memory_space<semaphore_mem>>) src(%arg19 : memref<1280xf32, #tpu.memory_space<vmem>>) dst(%dma_wait3A_266 : memref<655488xf32, #tpu.memory_space<vmem_shared>>)
        tpu.yield
      }) : () -> ()
    } else {
    }
    %scan3A_139 = arith.constant 0 : i32
    %scan3A_140 = arith.constant 125 : i32
    %scan3A_141 = arith.addi %scan3A_139, %scan3A_140 : i32
    %scan3A_142 = arith.constant 1 : i32
    scf.for %scan3A_252 = %scan3A_139 to %scan3A_141 step %scan3A_142  : i32 {
      %mul3A_253 = arith.constant 16 : i32
      %mul3A_254 = arith.muli %scan3A_252, %mul3A_253 : i32
      %add3A_255 = arith.constant 0 : i32
      %add3A_256 = arith.addi %add3A_255, %mul3A_254 : i32
      %get3A = arith.index_cast %add3A_256 : i32 to index
      %get3A_257 = tpu.vector_load %arg7[%get3A] {strides = array<i32>} : memref<10000xi32, #tpu.memory_space<vmem>>, vector<16xi32>,
      %get3A_258 = arith.index_cast %add3A_256 : i32 to index
      %get3A_259 = tpu.vector_load %arg6[%get3A_258] {strides = array<i32>} : memref<10000xi32, #tpu.memory_space<vmem>>, vector<16xi32>,
      %gather3A = tpu.vector_load_idx %arg9[%get3A_257] : memref<10240xf32, #tpu.memory_space<vmem>>[vector<16xi32>], vector<16xf32>,
      %gather3A_260 = tpu.vector_load_idx %arg9[%get3A_259] : memref<10240xf32, #tpu.memory_space<vmem>>[vector<16xi32>], vector<16xf32>,
      %gather3A_261 = tpu.vector_load_idx %arg8[%get3A_259] : memref<10240xi32, #tpu.memory_space<vmem>>[vector<16xi32>], vector<16xi32>,
      %mul3A_262 = arith.muli %gather3A_261, %broadcast_in_dim3A_133 : vector<16xi32>
      %add3A_263 = arith.addi %mul3A_262, %get3A_257 : vector<16xi32>
      %mul3A_264 = arith.constant 16 : i32
      %mul3A_265 = arith.muli %scan3A_252, %mul3A_264 : i32
      %swap3A = arith.index_cast %mul3A_265 : i32 to index
      %swap3A_266 = tpu.vector_load %arg17[%swap3A] {strides = array<i32>} : memref<2000xi32, #tpu.memory_space<vmem>>, vector<16xi32>,
      tpu.vector_store %arg17[%swap3A], %add3A_263 {strides = array<i32>} : memref<2000xi32, #tpu.memory_space<vmem>>, vector<16xi32>,
      %mul3A_267 = arith.mulf %gather3A, %gather3A_260 : vector<16xf32>
      %mul3A_268 = arith.constant 16 : i32
      %mul3A_269 = arith.muli %scan3A_252, %mul3A_268 : i32
      %swap3A_270 = arith.index_cast %mul3A_269 : i32 to index
      %swap3A_271 = tpu.vector_load %arg15[%swap3A_270] {strides = array<i32>} : memref<2000xf32, #tpu.memory_space<vmem>>, vector<16xf32>,
      tpu.vector_store %arg15[%swap3A_270], %mul3A_267 {strides = array<i32>} : memref<2000xf32, #tpu.memory_space<vmem>>, vector<16xf32>,
    }
    %scan3A_143 = arith.constant 125 : i32
    %dma_start3A_144 = arith.constant 0 : i32
    %dma_start3A_145 = tpu.memref_slice %arg34[%dma_start3A_144] : memref<655488xf32, #tpu.memory_space<vmem_shared>> -> memref<655488xf32, #tpu.memory_space<vmem_shared>>
    tpu.enqueue_indirect_dma source(%arg15 : memref<2000xf32, #tpu.memory_space<vmem>>) target(%dma_start3A_145 : memref<655488xf32, #tpu.memory_space<vmem_shared>>) offsets(%arg17 : memref<2000xi32, #tpu.memory_space<vmem>>) semaphore(%arg28 : memref<!tpu.dma_semaphore, #tpu.memory_space<semaphore_mem>>) {add = true}
    %scan3A_146 = arith.constant 0 : i32
    %scan3A_147 = arith.constant 125 : i32
    %scan3A_148 = arith.addi %scan3A_146, %scan3A_147 : i32
    %scan3A_149 = arith.constant 1 : i32
    scf.for %scan3A_252 = %scan3A_146 to %scan3A_148 step %scan3A_149  : i32 {
      %mul3A_253 = arith.constant 16 : i32
      %mul3A_254 = arith.muli %scan3A_252, %mul3A_253 : i32
      %add3A_255 = arith.constant 2000 : i32
      %add3A_256 = arith.addi %add3A_255, %mul3A_254 : i32
      %get3A = arith.index_cast %add3A_256 : i32 to index
      %get3A_257 = tpu.vector_load %arg7[%get3A] {strides = array<i32>} : memref<10000xi32, #tpu.memory_space<vmem>>, vector<16xi32>,
      %get3A_258 = arith.index_cast %add3A_256 : i32 to index
      %get3A_259 = tpu.vector_load %arg6[%get3A_258] {strides = array<i32>} : memref<10000xi32, #tpu.memory_space<vmem>>, vector<16xi32>,
      %gather3A = tpu.vector_load_idx %arg9[%get3A_257] : memref<10240xf32, #tpu.memory_space<vmem>>[vector<16xi32>], vector<16xf32>,
      %gather3A_260 = tpu.vector_load_idx %arg9[%get3A_259] : memref<10240xf32, #tpu.memory_space<vmem>>[vector<16xi32>], vector<16xf32>,
      %gather3A_261 = tpu.vector_load_idx %arg8[%get3A_259] : memref<10240xi32, #tpu.memory_space<vmem>>[vector<16xi32>], vector<16xi32>,
      %mul3A_262 = arith.muli %gather3A_261, %broadcast_in_dim3A_133 : vector<16xi32>
      %add3A_263 = arith.addi %mul3A_262, %get3A_257 : vector<16xi32>
      %mul3A_264 = arith.constant 16 : i32
      %mul3A_265 = arith.muli %scan3A_252, %mul3A_264 : i32
      %swap3A = arith.index_cast %mul3A_265 : i32 to index
      %swap3A_266 = tpu.vector_load %arg18[%swap3A] {strides = array<i32>} : memref<2000xi32, #tpu.memory_space<vmem>>, vector<16xi32>,
      tpu.vector_store %arg18[%swap3A], %add3A_263 {strides = array<i32>} : memref<2000xi32, #tpu.memory_space<vmem>>, vector<16xi32>,
      %mul3A_267 = arith.mulf %gather3A, %gather3A_260 : vector<16xf32>
      %mul3A_268 = arith.constant 16 : i32
      %mul3A_269 = arith.muli %scan3A_252, %mul3A_268 : i32
      %swap3A_270 = arith.index_cast %mul3A_269 : i32 to index
      %swap3A_271 = tpu.vector_load %arg16[%swap3A_270] {strides = array<i32>} : memref<2000xf32, #tpu.memory_space<vmem>>, vector<16xf32>,
      tpu.vector_store %arg16[%swap3A_270], %mul3A_267 {strides = array<i32>} : memref<2000xf32, #tpu.memory_space<vmem>>, vector<16xf32>,
    }
    %scan3A_150 = arith.constant 125 : i32
    %dma_start3A_151 = arith.constant 0 : i32
    %dma_start3A_152 = tpu.memref_slice %arg34[%dma_start3A_151] : memref<655488xf32, #tpu.memory_space<vmem_shared>> -> memref<655488xf32, #tpu.memory_space<vmem_shared>>
    tpu.enqueue_indirect_dma source(%arg16 : memref<2000xf32, #tpu.memory_space<vmem>>) target(%dma_start3A_152 : memref<655488xf32, #tpu.memory_space<vmem_shared>>) offsets(%arg18 : memref<2000xi32, #tpu.memory_space<vmem>>) semaphore(%arg29 : memref<!tpu.dma_semaphore, #tpu.memory_space<semaphore_mem>>) {add = true}
    %dma_wait3A_153 = arith.constant 0 : i32
    %dma_wait3A_154 = tpu.memref_slice %arg34[%dma_wait3A_153] : memref<655488xf32, #tpu.memory_space<vmem_shared>> -> memref<655488xf32, #tpu.memory_space<vmem_shared>>
    tpu.wait_indirect_dma semaphore(%arg28 : memref<!tpu.dma_semaphore, #tpu.memory_space<semaphore_mem>>) src(%arg15 : memref<2000xf32, #tpu.memory_space<vmem>>) dst(%dma_wait3A_154 : memref<655488xf32, #tpu.memory_space<vmem_shared>>)
    %scan3A_155 = arith.constant 0 : i32
    %scan3A_156 = arith.constant 125 : i32
    %scan3A_157 = arith.addi %scan3A_155, %scan3A_156 : i32
    %scan3A_158 = arith.constant 1 : i32
    scf.for %scan3A_252 = %scan3A_155 to %scan3A_157 step %scan3A_158  : i32 {
      %mul3A_253 = arith.constant 16 : i32
      %mul3A_254 = arith.muli %scan3A_252, %mul3A_253 : i32
      %add3A_255 = arith.constant 4000 : i32
      %add3A_256 = arith.addi %add3A_255, %mul3A_254 : i32
      %get3A = arith.index_cast %add3A_256 : i32 to index
      %get3A_257 = tpu.vector_load %arg7[%get3A] {strides = array<i32>} : memref<10000xi32, #tpu.memory_space<vmem>>, vector<16xi32>,
      %get3A_258 = arith.index_cast %add3A_256 : i32 to index
      %get3A_259 = tpu.vector_load %arg6[%get3A_258] {strides = array<i32>} : memref<10000xi32, #tpu.memory_space<vmem>>, vector<16xi32>,
      %gather3A = tpu.vector_load_idx %arg9[%get3A_257] : memref<10240xf32, #tpu.memory_space<vmem>>[vector<16xi32>], vector<16xf32>,
      %gather3A_260 = tpu.vector_load_idx %arg9[%get3A_259] : memref<10240xf32, #tpu.memory_space<vmem>>[vector<16xi32>], vector<16xf32>,
      %gather3A_261 = tpu.vector_load_idx %arg8[%get3A_259] : memref<10240xi32, #tpu.memory_space<vmem>>[vector<16xi32>], vector<16xi32>,
      %mul3A_262 = arith.muli %gather3A_261, %broadcast_in_dim3A_133 : vector<16xi32>
      %add3A_263 = arith.addi %mul3A_262, %get3A_257 : vector<16xi32>
      %mul3A_264 = arith.constant 16 : i32
      %mul3A_265 = arith.muli %scan3A_252, %mul3A_264 : i32
      %swap3A = arith.index_cast %mul3A_265 : i32 to index
      %swap3A_266 = tpu.vector_load %arg17[%swap3A] {strides = array<i32>} : memref<2000xi32, #tpu.memory_space<vmem>>, vector<16xi32>,
      tpu.vector_store %arg17[%swap3A], %add3A_263 {strides = array<i32>} : memref<2000xi32, #tpu.memory_space<vmem>>, vector<16xi32>,
      %mul3A_267 = arith.mulf %gather3A, %gather3A_260 : vector<16xf32>
      %mul3A_268 = arith.constant 16 : i32
      %mul3A_269 = arith.muli %scan3A_252, %mul3A_268 : i32
      %swap3A_270 = arith.index_cast %mul3A_269 : i32 to index
      %swap3A_271 = tpu.vector_load %arg15[%swap3A_270] {strides = array<i32>} : memref<2000xf32, #tpu.memory_space<vmem>>, vector<16xf32>,
      tpu.vector_store %arg15[%swap3A_270], %mul3A_267 {strides = array<i32>} : memref<2000xf32, #tpu.memory_space<vmem>>, vector<16xf32>,
    }
    %scan3A_159 = arith.constant 125 : i32
    %dma_start3A_160 = arith.constant 0 : i32
    %dma_start3A_161 = tpu.memref_slice %arg34[%dma_start3A_160] : memref<655488xf32, #tpu.memory_space<vmem_shared>> -> memref<655488xf32, #tpu.memory_space<vmem_shared>>
    tpu.enqueue_indirect_dma source(%arg15 : memref<2000xf32, #tpu.memory_space<vmem>>) target(%dma_start3A_161 : memref<655488xf32, #tpu.memory_space<vmem_shared>>) offsets(%arg17 : memref<2000xi32, #tpu.memory_space<vmem>>) semaphore(%arg28 : memref<!tpu.dma_semaphore, #tpu.memory_space<semaphore_mem>>) {add = true}
    %dma_wait3A_162 = arith.constant 0 : i32
    %dma_wait3A_163 = tpu.memref_slice %arg34[%dma_wait3A_162] : memref<655488xf32, #tpu.memory_space<vmem_shared>> -> memref<655488xf32, #tpu.memory_space<vmem_shared>>
    tpu.wait_indirect_dma semaphore(%arg29 : memref<!tpu.dma_semaphore, #tpu.memory_space<semaphore_mem>>) src(%arg16 : memref<2000xf32, #tpu.memory_space<vmem>>) dst(%dma_wait3A_163 : memref<655488xf32, #tpu.memory_space<vmem_shared>>)
    %scan3A_164 = arith.constant 0 : i32
    %scan3A_165 = arith.constant 125 : i32
    %scan3A_166 = arith.addi %scan3A_164, %scan3A_165 : i32
    %scan3A_167 = arith.constant 1 : i32
    scf.for %scan3A_252 = %scan3A_164 to %scan3A_166 step %scan3A_167  : i32 {
      %mul3A_253 = arith.constant 16 : i32
      %mul3A_254 = arith.muli %scan3A_252, %mul3A_253 : i32
      %add3A_255 = arith.constant 6000 : i32
      %add3A_256 = arith.addi %add3A_255, %mul3A_254 : i32
      %get3A = arith.index_cast %add3A_256 : i32 to index
      %get3A_257 = tpu.vector_load %arg7[%get3A] {strides = array<i32>} : memref<10000xi32, #tpu.memory_space<vmem>>, vector<16xi32>,
      %get3A_258 = arith.index_cast %add3A_256 : i32 to index
      %get3A_259 = tpu.vector_load %arg6[%get3A_258] {strides = array<i32>} : memref<10000xi32, #tpu.memory_space<vmem>>, vector<16xi32>,
      %gather3A = tpu.vector_load_idx %arg9[%get3A_257] : memref<10240xf32, #tpu.memory_space<vmem>>[vector<16xi32>], vector<16xf32>,
      %gather3A_260 = tpu.vector_load_idx %arg9[%get3A_259] : memref<10240xf32, #tpu.memory_space<vmem>>[vector<16xi32>], vector<16xf32>,
      %gather3A_261 = tpu.vector_load_idx %arg8[%get3A_259] : memref<10240xi32, #tpu.memory_space<vmem>>[vector<16xi32>], vector<16xi32>,
      %mul3A_262 = arith.muli %gather3A_261, %broadcast_in_dim3A_133 : vector<16xi32>
      %add3A_263 = arith.addi %mul3A_262, %get3A_257 : vector<16xi32>
      %mul3A_264 = arith.constant 16 : i32
      %mul3A_265 = arith.muli %scan3A_252, %mul3A_264 : i32
      %swap3A = arith.index_cast %mul3A_265 : i32 to index
      %swap3A_266 = tpu.vector_load %arg18[%swap3A] {strides = array<i32>} : memref<2000xi32, #tpu.memory_space<vmem>>, vector<16xi32>,
      tpu.vector_store %arg18[%swap3A], %add3A_263 {strides = array<i32>} : memref<2000xi32, #tpu.memory_space<vmem>>, vector<16xi32>,
      %mul3A_267 = arith.mulf %gather3A, %gather3A_260 : vector<16xf32>
      %mul3A_268 = arith.constant 16 : i32
      %mul3A_269 = arith.muli %scan3A_252, %mul3A_268 : i32
      %swap3A_270 = arith.index_cast %mul3A_269 : i32 to index
      %swap3A_271 = tpu.vector_load %arg16[%swap3A_270] {strides = array<i32>} : memref<2000xf32, #tpu.memory_space<vmem>>, vector<16xf32>,
      tpu.vector_store %arg16[%swap3A_270], %mul3A_267 {strides = array<i32>} : memref<2000xf32, #tpu.memory_space<vmem>>, vector<16xf32>,
    }
    %scan3A_168 = arith.constant 125 : i32
    %dma_start3A_169 = arith.constant 0 : i32
    %dma_start3A_170 = tpu.memref_slice %arg34[%dma_start3A_169] : memref<655488xf32, #tpu.memory_space<vmem_shared>> -> memref<655488xf32, #tpu.memory_space<vmem_shared>>
    tpu.enqueue_indirect_dma source(%arg16 : memref<2000xf32, #tpu.memory_space<vmem>>) target(%dma_start3A_170 : memref<655488xf32, #tpu.memory_space<vmem_shared>>) offsets(%arg18 : memref<2000xi32, #tpu.memory_space<vmem>>) semaphore(%arg29 : memref<!tpu.dma_semaphore, #tpu.memory_space<semaphore_mem>>) {add = true}
    %dma_wait3A_171 = arith.constant 0 : i32
    %dma_wait3A_172 = tpu.memref_slice %arg34[%dma_wait3A_171] : memref<655488xf32, #tpu.memory_space<vmem_shared>> -> memref<655488xf32, #tpu.memory_space<vmem_shared>>
    tpu.wait_indirect_dma semaphore(%arg28 : memref<!tpu.dma_semaphore, #tpu.memory_space<semaphore_mem>>) src(%arg15 : memref<2000xf32, #tpu.memory_space<vmem>>) dst(%dma_wait3A_172 : memref<655488xf32, #tpu.memory_space<vmem_shared>>)
    %scan3A_173 = arith.constant 0 : i32
    %scan3A_174 = arith.constant 125 : i32
    %scan3A_175 = arith.addi %scan3A_173, %scan3A_174 : i32
    %scan3A_176 = arith.constant 1 : i32
    scf.for %scan3A_252 = %scan3A_173 to %scan3A_175 step %scan3A_176  : i32 {
      %mul3A_253 = arith.constant 16 : i32
      %mul3A_254 = arith.muli %scan3A_252, %mul3A_253 : i32
      %add3A_255 = arith.constant 8000 : i32
      %add3A_256 = arith.addi %add3A_255, %mul3A_254 : i32
      %get3A = arith.index_cast %add3A_256 : i32 to index
      %get3A_257 = tpu.vector_load %arg7[%get3A] {strides = array<i32>} : memref<10000xi32, #tpu.memory_space<vmem>>, vector<16xi32>,
      %get3A_258 = arith.index_cast %add3A_256 : i32 to index
      %get3A_259 = tpu.vector_load %arg6[%get3A_258] {strides = array<i32>} : memref<10000xi32, #tpu.memory_space<vmem>>, vector<16xi32>,
      %gather3A = tpu.vector_load_idx %arg9[%get3A_257] : memref<10240xf32, #tpu.memory_space<vmem>>[vector<16xi32>], vector<16xf32>,
      %gather3A_260 = tpu.vector_load_idx %arg9[%get3A_259] : memref<10240xf32, #tpu.memory_space<vmem>>[vector<16xi32>], vector<16xf32>,
      %gather3A_261 = tpu.vector_load_idx %arg8[%get3A_259] : memref<10240xi32, #tpu.memory_space<vmem>>[vector<16xi32>], vector<16xi32>,
      %mul3A_262 = arith.muli %gather3A_261, %broadcast_in_dim3A_133 : vector<16xi32>
      %add3A_263 = arith.addi %mul3A_262, %get3A_257 : vector<16xi32>
      %mul3A_264 = arith.constant 16 : i32
      %mul3A_265 = arith.muli %scan3A_252, %mul3A_264 : i32
      %swap3A = arith.index_cast %mul3A_265 : i32 to index
      %swap3A_266 = tpu.vector_load %arg17[%swap3A] {strides = array<i32>} : memref<2000xi32, #tpu.memory_space<vmem>>, vector<16xi32>,
      tpu.vector_store %arg17[%swap3A], %add3A_263 {strides = array<i32>} : memref<2000xi32, #tpu.memory_space<vmem>>, vector<16xi32>,
      %mul3A_267 = arith.mulf %gather3A, %gather3A_260 : vector<16xf32>
      %mul3A_268 = arith.constant 16 : i32
      %mul3A_269 = arith.muli %scan3A_252, %mul3A_268 : i32
      %swap3A_270 = arith.index_cast %mul3A_269 : i32 to index
      %swap3A_271 = tpu.vector_load %arg15[%swap3A_270] {strides = array<i32>} : memref<2000xf32, #tpu.memory_space<vmem>>, vector<16xf32>,
      tpu.vector_store %arg15[%swap3A_270], %mul3A_267 {strides = array<i32>} : memref<2000xf32, #tpu.memory_space<vmem>>, vector<16xf32>,
    }
    %scan3A_177 = arith.constant 125 : i32
    %dma_start3A_178 = arith.constant 0 : i32
    %dma_start3A_179 = tpu.memref_slice %arg34[%dma_start3A_178] : memref<655488xf32, #tpu.memory_space<vmem_shared>> -> memref<655488xf32, #tpu.memory_space<vmem_shared>>
    tpu.enqueue_indirect_dma source(%arg15 : memref<2000xf32, #tpu.memory_space<vmem>>) target(%dma_start3A_179 : memref<655488xf32, #tpu.memory_space<vmem_shared>>) offsets(%arg17 : memref<2000xi32, #tpu.memory_space<vmem>>) semaphore(%arg28 : memref<!tpu.dma_semaphore, #tpu.memory_space<semaphore_mem>>) {add = true}
    %dma_wait3A_180 = arith.constant 0 : i32
    %dma_wait3A_181 = tpu.memref_slice %arg34[%dma_wait3A_180] : memref<655488xf32, #tpu.memory_space<vmem_shared>> -> memref<655488xf32, #tpu.memory_space<vmem_shared>>
    tpu.wait_indirect_dma semaphore(%arg29 : memref<!tpu.dma_semaphore, #tpu.memory_space<semaphore_mem>>) src(%arg16 : memref<2000xf32, #tpu.memory_space<vmem>>) dst(%dma_wait3A_181 : memref<655488xf32, #tpu.memory_space<vmem_shared>>)
    %dma_wait3A_182 = arith.constant 0 : i32
    %dma_wait3A_183 = tpu.memref_slice %arg34[%dma_wait3A_182] : memref<655488xf32, #tpu.memory_space<vmem_shared>> -> memref<655488xf32, #tpu.memory_space<vmem_shared>>
    tpu.wait_indirect_dma semaphore(%arg28 : memref<!tpu.dma_semaphore, #tpu.memory_space<semaphore_mem>>) src(%arg15 : memref<2000xf32, #tpu.memory_space<vmem>>) dst(%dma_wait3A_183 : memref<655488xf32, #tpu.memory_space<vmem_shared>>)
    %barrier3A_184 = arith.constant 0 : index
    tpu.barrier barrier_id(%barrier3A_184)
    %mul3A_185 = arith.constant 40960 : i32
    %mul3A_186 = arith.muli %arg1, %mul3A_185 : i32
    %add3A_187 = arith.constant 0 : i32
    %add3A_188 = arith.addi %mul3A_186, %add3A_187 : i32
    "tpu.region"() ({
      %run_scoped3A = tpu.sem_alloc : memref<!tpu.dma_semaphore, #tpu.memory_space<semaphore_mem>>
      %dma_start3A_252 = tpu.memref_slice %arg34[%add3A_188] : memref<655488xf32, #tpu.memory_space<vmem_shared>> -> memref<10240xf32, #tpu.memory_space<vmem_shared>>
      %dma_start3A_253 = tpu.memref_slice %arg34[%add3A_188] : memref<655488xf32, #tpu.memory_space<vmem_shared>> -> memref<10240xf32, #tpu.memory_space<vmem_shared>>
      tpu.enqueue_dma source(%dma_start3A_253 : memref<10240xf32, #tpu.memory_space<vmem_shared>>) target(%arg11 : memref<10240xf32, #tpu.memory_space<vmem>>) target_semaphore(%run_scoped3A : memref<!tpu.dma_semaphore, #tpu.memory_space<semaphore_mem>>)
      %dma_wait3A_254 = tpu.memref_slice %arg34[%add3A_188] : memref<655488xf32, #tpu.memory_space<vmem_shared>> -> memref<10240xf32, #tpu.memory_space<vmem_shared>>
      %dma_wait3A_255 = tpu.memref_slice %arg34[%add3A_188] : memref<655488xf32, #tpu.memory_space<vmem_shared>> -> memref<10240xf32, #tpu.memory_space<vmem_shared>>
      tpu.wait_dma2 semaphore(%run_scoped3A : memref<!tpu.dma_semaphore, #tpu.memory_space<semaphore_mem>>) src(%dma_wait3A_255 : memref<10240xf32, #tpu.memory_space<vmem_shared>>) dst(%arg11 : memref<10240xf32, #tpu.memory_space<vmem>>)
      tpu.yield
    }) : () -> ()
    %mul3A_189 = arith.constant 655360 : i32
    %mul3A_190 = arith.muli %arg0, %mul3A_189 : i32
    %mul3A_191 = arith.constant 40960 : i32
    %mul3A_192 = arith.muli %arg1, %mul3A_191 : i32
    %add3A_193 = arith.addi %mul3A_190, %mul3A_192 : i32
    %add3A_194 = arith.constant 0 : i32
    %add3A_195 = arith.addi %add3A_193, %add3A_194 : i32
    %dma_start3A_196 = tpu.memref_slice %arg4[%add3A_195] : memref<1310720xf32, #tpu.memory_space<hbm>> -> memref<10240xf32, #tpu.memory_space<hbm>>
    %dma_start3A_197 = tpu.memref_slice %arg4[%add3A_195] : memref<1310720xf32, #tpu.memory_space<hbm>> -> memref<10240xf32, #tpu.memory_space<hbm>>
    tpu.enqueue_dma source(%arg11 : memref<10240xf32, #tpu.memory_space<vmem>>) target(%dma_start3A_197 : memref<10240xf32, #tpu.memory_space<hbm>>) target_semaphore(%arg30 : memref<!tpu.dma_semaphore, #tpu.memory_space<semaphore_mem>>)
    %mul3A_198 = arith.constant 40960 : i32
    %mul3A_199 = arith.muli %arg1, %mul3A_198 : i32
    %add3A_200 = arith.constant 10240 : i32
    %add3A_201 = arith.addi %mul3A_199, %add3A_200 : i32
    "tpu.region"() ({
      %run_scoped3A = tpu.sem_alloc : memref<!tpu.dma_semaphore, #tpu.memory_space<semaphore_mem>>
      %dma_start3A_252 = tpu.memref_slice %arg34[%add3A_201] : memref<655488xf32, #tpu.memory_space<vmem_shared>> -> memref<10240xf32, #tpu.memory_space<vmem_shared>>
      %dma_start3A_253 = tpu.memref_slice %arg34[%add3A_201] : memref<655488xf32, #tpu.memory_space<vmem_shared>> -> memref<10240xf32, #tpu.memory_space<vmem_shared>>
      tpu.enqueue_dma source(%dma_start3A_253 : memref<10240xf32, #tpu.memory_space<vmem_shared>>) target(%arg9 : memref<10240xf32, #tpu.memory_space<vmem>>) target_semaphore(%run_scoped3A : memref<!tpu.dma_semaphore, #tpu.memory_space<semaphore_mem>>)
      %dma_wait3A_254 = tpu.memref_slice %arg34[%add3A_201] : memref<655488xf32, #tpu.memory_space<vmem_shared>> -> memref<10240xf32, #tpu.memory_space<vmem_shared>>
      %dma_wait3A_255 = tpu.memref_slice %arg34[%add3A_201] : memref<655488xf32, #tpu.memory_space<vmem_shared>> -> memref<10240xf32, #tpu.memory_space<vmem_shared>>
      tpu.wait_dma2 semaphore(%run_scoped3A : memref<!tpu.dma_semaphore, #tpu.memory_space<semaphore_mem>>) src(%dma_wait3A_255 : memref<10240xf32, #tpu.memory_space<vmem_shared>>) dst(%arg9 : memref<10240xf32, #tpu.memory_space<vmem>>)
      tpu.yield
    }) : () -> ()
    %mul3A_202 = arith.constant 655360 : i32
    %mul3A_203 = arith.muli %arg0, %mul3A_202 : i32
    %mul3A_204 = arith.constant 40960 : i32
    %mul3A_205 = arith.muli %arg1, %mul3A_204 : i32
    %add3A_206 = arith.addi %mul3A_203, %mul3A_205 : i32
    %add3A_207 = arith.constant 10240 : i32
    %add3A_208 = arith.addi %add3A_206, %add3A_207 : i32
    %dma_start3A_209 = tpu.memref_slice %arg4[%add3A_208] : memref<1310720xf32, #tpu.memory_space<hbm>> -> memref<10240xf32, #tpu.memory_space<hbm>>
    %dma_start3A_210 = tpu.memref_slice %arg4[%add3A_208] : memref<1310720xf32, #tpu.memory_space<hbm>> -> memref<10240xf32, #tpu.memory_space<hbm>>
    tpu.enqueue_dma source(%arg9 : memref<10240xf32, #tpu.memory_space<vmem>>) target(%dma_start3A_210 : memref<10240xf32, #tpu.memory_space<hbm>>) target_semaphore(%arg31 : memref<!tpu.dma_semaphore, #tpu.memory_space<semaphore_mem>>)
    %dma_wait3A_211 = tpu.memref_slice %arg4[%add3A_195] : memref<1310720xf32, #tpu.memory_space<hbm>> -> memref<10240xf32, #tpu.memory_space<hbm>>
    %dma_wait3A_212 = tpu.memref_slice %arg4[%add3A_195] : memref<1310720xf32, #tpu.memory_space<hbm>> -> memref<10240xf32, #tpu.memory_space<hbm>>
    tpu.wait_dma2 semaphore(%arg30 : memref<!tpu.dma_semaphore, #tpu.memory_space<semaphore_mem>>) src(%arg11 : memref<10240xf32, #tpu.memory_space<vmem>>) dst(%dma_wait3A_212 : memref<10240xf32, #tpu.memory_space<hbm>>)
    %mul3A_213 = arith.constant 40960 : i32
    %mul3A_214 = arith.muli %arg1, %mul3A_213 : i32
    %add3A_215 = arith.constant 20480 : i32
    %add3A_216 = arith.addi %mul3A_214, %add3A_215 : i32
    "tpu.region"() ({
      %run_scoped3A = tpu.sem_alloc : memref<!tpu.dma_semaphore, #tpu.memory_space<semaphore_mem>>
      %dma_start3A_252 = tpu.memref_slice %arg34[%add3A_216] : memref<655488xf32, #tpu.memory_space<vmem_shared>> -> memref<10240xf32, #tpu.memory_space<vmem_shared>>
      %dma_start3A_253 = tpu.memref_slice %arg34[%add3A_216] : memref<655488xf32, #tpu.memory_space<vmem_shared>> -> memref<10240xf32, #tpu.memory_space<vmem_shared>>
      tpu.enqueue_dma source(%dma_start3A_253 : memref<10240xf32, #tpu.memory_space<vmem_shared>>) target(%arg11 : memref<10240xf32, #tpu.memory_space<vmem>>) target_semaphore(%run_scoped3A : memref<!tpu.dma_semaphore, #tpu.memory_space<semaphore_mem>>)
      %dma_wait3A_254 = tpu.memref_slice %arg34[%add3A_216] : memref<655488xf32, #tpu.memory_space<vmem_shared>> -> memref<10240xf32, #tpu.memory_space<vmem_shared>>
      %dma_wait3A_255 = tpu.memref_slice %arg34[%add3A_216] : memref<655488xf32, #tpu.memory_space<vmem_shared>> -> memref<10240xf32, #tpu.memory_space<vmem_shared>>
      tpu.wait_dma2 semaphore(%run_scoped3A : memref<!tpu.dma_semaphore, #tpu.memory_space<semaphore_mem>>) src(%dma_wait3A_255 : memref<10240xf32, #tpu.memory_space<vmem_shared>>) dst(%arg11 : memref<10240xf32, #tpu.memory_space<vmem>>)
      tpu.yield
    }) : () -> ()
    %mul3A_217 = arith.constant 655360 : i32
    %mul3A_218 = arith.muli %arg0, %mul3A_217 : i32
    %mul3A_219 = arith.constant 40960 : i32
    %mul3A_220 = arith.muli %arg1, %mul3A_219 : i32
    %add3A_221 = arith.addi %mul3A_218, %mul3A_220 : i32
    %add3A_222 = arith.constant 20480 : i32
    %add3A_223 = arith.addi %add3A_221, %add3A_222 : i32
    %dma_start3A_224 = tpu.memref_slice %arg4[%add3A_223] : memref<1310720xf32, #tpu.memory_space<hbm>> -> memref<10240xf32, #tpu.memory_space<hbm>>
    %dma_start3A_225 = tpu.memref_slice %arg4[%add3A_223] : memref<1310720xf32, #tpu.memory_space<hbm>> -> memref<10240xf32, #tpu.memory_space<hbm>>
    tpu.enqueue_dma source(%arg11 : memref<10240xf32, #tpu.memory_space<vmem>>) target(%dma_start3A_225 : memref<10240xf32, #tpu.memory_space<hbm>>) target_semaphore(%arg30 : memref<!tpu.dma_semaphore, #tpu.memory_space<semaphore_mem>>)
    %dma_wait3A_226 = tpu.memref_slice %arg4[%add3A_208] : memref<1310720xf32, #tpu.memory_space<hbm>> -> memref<10240xf32, #tpu.memory_space<hbm>>
    %dma_wait3A_227 = tpu.memref_slice %arg4[%add3A_208] : memref<1310720xf32, #tpu.memory_space<hbm>> -> memref<10240xf32, #tpu.memory_space<hbm>>
    tpu.wait_dma2 semaphore(%arg31 : memref<!tpu.dma_semaphore, #tpu.memory_space<semaphore_mem>>) src(%arg9 : memref<10240xf32, #tpu.memory_space<vmem>>) dst(%dma_wait3A_227 : memref<10240xf32, #tpu.memory_space<hbm>>)
    %mul3A_228 = arith.constant 40960 : i32
    %mul3A_229 = arith.muli %arg1, %mul3A_228 : i32
    %add3A_230 = arith.constant 30720 : i32
    %add3A_231 = arith.addi %mul3A_229, %add3A_230 : i32
    "tpu.region"() ({
      %run_scoped3A = tpu.sem_alloc : memref<!tpu.dma_semaphore, #tpu.memory_space<semaphore_mem>>
      %dma_start3A_252 = tpu.memref_slice %arg34[%add3A_231] : memref<655488xf32, #tpu.memory_space<vmem_shared>> -> memref<10240xf32, #tpu.memory_space<vmem_shared>>
      %dma_start3A_253 = tpu.memref_slice %arg34[%add3A_231] : memref<655488xf32, #tpu.memory_space<vmem_shared>> -> memref<10240xf32, #tpu.memory_space<vmem_shared>>
      tpu.enqueue_dma source(%dma_start3A_253 : memref<10240xf32, #tpu.memory_space<vmem_shared>>) target(%arg9 : memref<10240xf32, #tpu.memory_space<vmem>>) target_semaphore(%run_scoped3A : memref<!tpu.dma_semaphore, #tpu.memory_space<semaphore_mem>>)
      %dma_wait3A_254 = tpu.memref_slice %arg34[%add3A_231] : memref<655488xf32, #tpu.memory_space<vmem_shared>> -> memref<10240xf32, #tpu.memory_space<vmem_shared>>
      %dma_wait3A_255 = tpu.memref_slice %arg34[%add3A_231] : memref<655488xf32, #tpu.memory_space<vmem_shared>> -> memref<10240xf32, #tpu.memory_space<vmem_shared>>
      tpu.wait_dma2 semaphore(%run_scoped3A : memref<!tpu.dma_semaphore, #tpu.memory_space<semaphore_mem>>) src(%dma_wait3A_255 : memref<10240xf32, #tpu.memory_space<vmem_shared>>) dst(%arg9 : memref<10240xf32, #tpu.memory_space<vmem>>)
      tpu.yield
    }) : () -> ()
    %mul3A_232 = arith.constant 655360 : i32
    %mul3A_233 = arith.muli %arg0, %mul3A_232 : i32
    %mul3A_234 = arith.constant 40960 : i32
    %mul3A_235 = arith.muli %arg1, %mul3A_234 : i32
    %add3A_236 = arith.addi %mul3A_233, %mul3A_235 : i32
    %add3A_237 = arith.constant 30720 : i32
    %add3A_238 = arith.addi %add3A_236, %add3A_237 : i32
    %dma_start3A_239 = tpu.memref_slice %arg4[%add3A_238] : memref<1310720xf32, #tpu.memory_space<hbm>> -> memref<10240xf32, #tpu.memory_space<hbm>>
    %dma_start3A_240 = tpu.memref_slice %arg4[%add3A_238] : memref<1310720xf32, #tpu.memory_space<hbm>> -> memref<10240xf32, #tpu.memory_space<hbm>>
    tpu.enqueue_dma source(%arg9 : memref<10240xf32, #tpu.memory_space<vmem>>) target(%dma_start3A_240 : memref<10240xf32, #tpu.memory_space<hbm>>) target_semaphore(%arg31 : memref<!tpu.dma_semaphore, #tpu.memory_space<semaphore_mem>>)
    %dma_wait3A_241 = tpu.memref_slice %arg4[%add3A_223] : memref<1310720xf32, #tpu.memory_space<hbm>> -> memref<10240xf32, #tpu.memory_space<hbm>>
    %dma_wait3A_242 = tpu.memref_slice %arg4[%add3A_223] : memref<1310720xf32, #tpu.memory_space<hbm>> -> memref<10240xf32, #tpu.memory_space<hbm>>
    tpu.wait_dma2 semaphore(%arg30 : memref<!tpu.dma_semaphore, #tpu.memory_space<semaphore_mem>>) src(%arg11 : memref<10240xf32, #tpu.memory_space<vmem>>) dst(%dma_wait3A_242 : memref<10240xf32, #tpu.memory_space<hbm>>)
    %dma_wait3A_243 = tpu.memref_slice %arg4[%add3A_238] : memref<1310720xf32, #tpu.memory_space<hbm>> -> memref<10240xf32, #tpu.memory_space<hbm>>
    %dma_wait3A_244 = tpu.memref_slice %arg4[%add3A_238] : memref<1310720xf32, #tpu.memory_space<hbm>> -> memref<10240xf32, #tpu.memory_space<hbm>>
    tpu.wait_dma2 semaphore(%arg31 : memref<!tpu.dma_semaphore, #tpu.memory_space<semaphore_mem>>) src(%arg9 : memref<10240xf32, #tpu.memory_space<vmem>>) dst(%dma_wait3A_244 : memref<10240xf32, #tpu.memory_space<hbm>>)
    %eq3A_245 = arith.constant 0 : i32
    %eq3A_246 = arith.cmpi eq, %arg0, %eq3A_245 : i32
    %eq3A_247 = arith.constant 0 : i32
    %eq3A_248 = arith.cmpi eq, %arg1, %eq3A_247 : i32
    %and3A = arith.andi %eq3A_246, %eq3A_248 : i1
    %convert_element_type3A_249 = arith.extui %and3A : i1 to i32
    %cond3A_250 = arith.constant 0 : i32
    %cond3A_251 = arith.cmpi ne, %convert_element_type3A_249, %cond3A_250 : i32
    scf.if %cond3A_251 {
      "tpu.region"() ({
        %run_scoped3A = tpu.sem_alloc : memref<!tpu.dma_semaphore, #tpu.memory_space<semaphore_mem>>
        %dma_start3A_252 = arith.constant 0 : i32
        %dma_start3A_253 = tpu.memref_slice %arg10[%dma_start3A_252] : memref<640xf32, #tpu.memory_space<vmem>> -> memref<128xf32, #tpu.memory_space<vmem>>
        %dma_start3A_254 = arith.constant 655360 : i32
        %dma_start3A_255 = tpu.memref_slice %arg34[%dma_start3A_254] : memref<655488xf32, #tpu.memory_space<vmem_shared>> -> memref<128xf32, #tpu.memory_space<vmem_shared>>
        %dma_start3A_256 = arith.constant 0 : i32
        %dma_start3A_257 = tpu.memref_slice %arg10[%dma_start3A_256] : memref<640xf32, #tpu.memory_space<vmem>> -> memref<128xf32, #tpu.memory_space<vmem>>
        %dma_start3A_258 = arith.constant 655360 : i32
        %dma_start3A_259 = tpu.memref_slice %arg34[%dma_start3A_258] : memref<655488xf32, #tpu.memory_space<vmem_shared>> -> memref<128xf32, #tpu.memory_space<vmem_shared>>
        tpu.enqueue_dma source(%dma_start3A_259 : memref<128xf32, #tpu.memory_space<vmem_shared>>) target(%dma_start3A_257 : memref<128xf32, #tpu.memory_space<vmem>>) target_semaphore(%run_scoped3A : memref<!tpu.dma_semaphore, #tpu.memory_space<semaphore_mem>>)
        %dma_wait3A_260 = arith.constant 0 : i32
        %dma_wait3A_261 = tpu.memref_slice %arg10[%dma_wait3A_260] : memref<640xf32, #tpu.memory_space<vmem>> -> memref<128xf32, #tpu.memory_space<vmem>>
        %dma_wait3A_262 = arith.constant 655360 : i32
        %dma_wait3A_263 = tpu.memref_slice %arg34[%dma_wait3A_262] : memref<655488xf32, #tpu.memory_space<vmem_shared>> -> memref<128xf32, #tpu.memory_space<vmem_shared>>
        %dma_wait3A_264 = arith.constant 0 : i32
        %dma_wait3A_265 = tpu.memref_slice %arg10[%dma_wait3A_264] : memref<640xf32, #tpu.memory_space<vmem>> -> memref<128xf32, #tpu.memory_space<vmem>>
        %dma_wait3A_266 = arith.constant 655360 : i32
        %dma_wait3A_267 = tpu.memref_slice %arg34[%dma_wait3A_266] : memref<655488xf32, #tpu.memory_space<vmem_shared>> -> memref<128xf32, #tpu.memory_space<vmem_shared>>
        tpu.wait_dma2 semaphore(%run_scoped3A : memref<!tpu.dma_semaphore, #tpu.memory_space<semaphore_mem>>) src(%dma_wait3A_267 : memref<128xf32, #tpu.memory_space<vmem_shared>>) dst(%dma_wait3A_265 : memref<128xf32, #tpu.memory_space<vmem>>)
        tpu.yield
      }) : () -> ()
      "tpu.region"() ({
        %run_scoped3A = tpu.sem_alloc : memref<!tpu.dma_semaphore, #tpu.memory_space<semaphore_mem>>
        %dma_start3A_252 = arith.constant 0 : i32
        %dma_start3A_253 = tpu.memref_slice %arg10[%dma_start3A_252] : memref<640xf32, #tpu.memory_space<vmem>> -> memref<128xf32, #tpu.memory_space<vmem>>
        %dma_start3A_254 = arith.constant 0 : i32
        %dma_start3A_255 = tpu.memref_slice %arg10[%dma_start3A_254] : memref<640xf32, #tpu.memory_space<vmem>> -> memref<128xf32, #tpu.memory_space<vmem>>
        tpu.enqueue_dma source(%dma_start3A_255 : memref<128xf32, #tpu.memory_space<vmem>>) target(%arg5 : memref<128xf32, #tpu.memory_space<hbm>>) target_semaphore(%run_scoped3A : memref<!tpu.dma_semaphore, #tpu.memory_space<semaphore_mem>>)
        %dma_wait3A_256 = arith.constant 0 : i32
        %dma_wait3A_257 = tpu.memref_slice %arg10[%dma_wait3A_256] : memref<640xf32, #tpu.memory_space<vmem>> -> memref<128xf32, #tpu.memory_space<vmem>>
        %dma_wait3A_258 = arith.constant 0 : i32
        %dma_wait3A_259 = tpu.memref_slice %arg10[%dma_wait3A_258] : memref<640xf32, #tpu.memory_space<vmem>> -> memref<128xf32, #tpu.memory_space<vmem>>
        tpu.wait_dma2 semaphore(%run_scoped3A : memref<!tpu.dma_semaphore, #tpu.memory_space<semaphore_mem>>) src(%dma_wait3A_259 : memref<128xf32, #tpu.memory_space<vmem>>) dst(%arg5 : memref<128xf32, #tpu.memory_space<hbm>>)
        tpu.yield
      }) : () -> ()
    } else {
    }
    return
  }
}

module attributes {stable_mosaic.version = 14 : i64} {
  func.func @_tc_body(%arg0: i32, %arg1: memref<8x256x128xf32, #tpu.memory_space<vmem>>, %arg2: memref<128x40xf32, #tpu.memory_space<vmem>>, %arg3: memref<1x40xf32, #tpu.memory_space<vmem>>, %arg4: memref<128x16x128xf32, #tpu.memory_space<vmem>>, %arg5: memref<128xf32, #tpu.memory_space<vmem>>, %arg6: memref<64x40xf32, #tpu.memory_space<vmem>>, %arg7: memref<40x128xf32, #tpu.memory_space<vmem>>) attributes {dimension_semantics = [#tpu.dimension_semantics<arbitrary>], iteration_bounds = array<i64: 5>, scalar_prefetch = 0 : i64, scratch_operands = 1 : i64, tpu.core_type = #tpu.core_type<tc>, window_params = [{transform_indices = @transform_0, window_bounds = array<i64: 8, 256, 128>}, {pipeline_mode = #tpu.pipeline_mode<synchronous>, transform_indices = @transform_1, window_bounds = array<i64: 128, 40>}, {pipeline_mode = #tpu.pipeline_mode<synchronous>, transform_indices = @transform_2, window_bounds = array<i64: 1, 40>}, {transform_indices = @transform_3, window_bounds = array<i64: 128, 16, 128>}, {pipeline_mode = #tpu.pipeline_mode<synchronous>, transform_indices = @transform_4, window_bounds = array<i64: 128>}, {pipeline_mode = #tpu.pipeline_mode<synchronous>, transform_indices = @transform_5, window_bounds = array<i64: 64, 40>}]} {
    %eq3A = arith.constant 0 : i32
    %eq3A_0 = arith.cmpi eq, %arg0, %eq3A : i32
    %convert_element_type3A = arith.extui %eq3A_0 : i1 to i32
    %cond3A = arith.constant 0 : i32
    %cond3A_1 = arith.cmpi ne, %convert_element_type3A, %cond3A : i32
    scf.if %cond3A_1 {
      %broadcast_in_dim3A = arith.constant 0.000000e+00 : f32
      %broadcast_in_dim3A_152 = vector.broadcast %broadcast_in_dim3A : f32 to vector<40x128xf32>
      %swap3A_153 = arith.constant 0 : index
      %swap3A_154 = arith.constant 0 : index
      %swap3A_155 = vector.load %arg7[%swap3A_153, %swap3A_154] : memref<40x128xf32, #tpu.memory_space<vmem>>, vector<40x128xf32>
      tpu.vector_store %arg7[%swap3A_153, %swap3A_154], %broadcast_in_dim3A_152 {strides = array<i32>} : memref<40x128xf32, #tpu.memory_space<vmem>>, vector<40x128xf32>,
    } else {
    }
    %get3A = arith.constant 0 : index
    %get3A_2 = arith.constant 0 : index
    %get3A_3 = vector.load %arg2[%get3A, %get3A_2] : memref<128x40xf32, #tpu.memory_space<vmem>>, vector<128x40xf32>
    %get3A_4 = arith.constant 0 : index
    %get3A_5 = arith.constant 0 : index
    %get3A_6 = arith.constant 0 : index
    %get3A_7 = vector.load %arg1[%get3A_4, %get3A_5, %get3A_6] : memref<8x256x128xf32, #tpu.memory_space<vmem>>, vector<1x256x128xf32>
    %get3A_8 = vector.shape_cast %get3A_7 : vector<1x256x128xf32> to vector<256x128xf32>
    %dot_general3A = arith.constant dense<0.000000e+00> : vector<256x40xf32>
    %dot_general3A_9 = tpu.matmul %get3A_8, %get3A_3, %dot_general3A {dimension_numbers = #tpu.dot_dimension_numbers<[1], [0], [0], [1], [0, 0, 1, 1], [], []>, transpose_lhs_hint = false} : vector<256x128xf32>, vector<128x40xf32>, vector<256x40xf32> -> vector<256x40xf32>
    %get3A_10 = arith.constant 1 : index
    %get3A_11 = arith.constant 0 : index
    %get3A_12 = arith.constant 0 : index
    %get3A_13 = vector.load %arg1[%get3A_10, %get3A_11, %get3A_12] : memref<8x256x128xf32, #tpu.memory_space<vmem>>, vector<1x256x128xf32>
    %get3A_14 = vector.shape_cast %get3A_13 : vector<1x256x128xf32> to vector<256x128xf32>
    %dot_general3A_15 = arith.constant dense<0.000000e+00> : vector<256x40xf32>
    %dot_general3A_16 = tpu.matmul %get3A_14, %get3A_3, %dot_general3A_15 {dimension_numbers = #tpu.dot_dimension_numbers<[1], [0], [0], [1], [0, 0, 1, 1], [], []>, transpose_lhs_hint = false} : vector<256x128xf32>, vector<128x40xf32>, vector<256x40xf32> -> vector<256x40xf32>
    %get3A_17 = arith.constant 2 : index
    %get3A_18 = arith.constant 0 : index
    %get3A_19 = arith.constant 0 : index
    %get3A_20 = vector.load %arg1[%get3A_17, %get3A_18, %get3A_19] : memref<8x256x128xf32, #tpu.memory_space<vmem>>, vector<1x256x128xf32>
    %get3A_21 = vector.shape_cast %get3A_20 : vector<1x256x128xf32> to vector<256x128xf32>
    %dot_general3A_22 = arith.constant dense<0.000000e+00> : vector<256x40xf32>
    %dot_general3A_23 = tpu.matmul %get3A_21, %get3A_3, %dot_general3A_22 {dimension_numbers = #tpu.dot_dimension_numbers<[1], [0], [0], [1], [0, 0, 1, 1], [], []>, transpose_lhs_hint = false} : vector<256x128xf32>, vector<128x40xf32>, vector<256x40xf32> -> vector<256x40xf32>
    %get3A_24 = arith.constant 3 : index
    %get3A_25 = arith.constant 0 : index
    %get3A_26 = arith.constant 0 : index
    %get3A_27 = vector.load %arg1[%get3A_24, %get3A_25, %get3A_26] : memref<8x256x128xf32, #tpu.memory_space<vmem>>, vector<1x256x128xf32>
    %get3A_28 = vector.shape_cast %get3A_27 : vector<1x256x128xf32> to vector<256x128xf32>
    %dot_general3A_29 = arith.constant dense<0.000000e+00> : vector<256x40xf32>
    %dot_general3A_30 = tpu.matmul %get3A_28, %get3A_3, %dot_general3A_29 {dimension_numbers = #tpu.dot_dimension_numbers<[1], [0], [0], [1], [0, 0, 1, 1], [], []>, transpose_lhs_hint = false} : vector<256x128xf32>, vector<128x40xf32>, vector<256x40xf32> -> vector<256x40xf32>
    %get3A_31 = arith.constant 4 : index
    %get3A_32 = arith.constant 0 : index
    %get3A_33 = arith.constant 0 : index
    %get3A_34 = vector.load %arg1[%get3A_31, %get3A_32, %get3A_33] : memref<8x256x128xf32, #tpu.memory_space<vmem>>, vector<1x256x128xf32>
    %get3A_35 = vector.shape_cast %get3A_34 : vector<1x256x128xf32> to vector<256x128xf32>
    %dot_general3A_36 = arith.constant dense<0.000000e+00> : vector<256x40xf32>
    %dot_general3A_37 = tpu.matmul %get3A_35, %get3A_3, %dot_general3A_36 {dimension_numbers = #tpu.dot_dimension_numbers<[1], [0], [0], [1], [0, 0, 1, 1], [], []>, transpose_lhs_hint = false} : vector<256x128xf32>, vector<128x40xf32>, vector<256x40xf32> -> vector<256x40xf32>
    %get3A_38 = arith.constant 5 : index
    %get3A_39 = arith.constant 0 : index
    %get3A_40 = arith.constant 0 : index
    %get3A_41 = vector.load %arg1[%get3A_38, %get3A_39, %get3A_40] : memref<8x256x128xf32, #tpu.memory_space<vmem>>, vector<1x256x128xf32>
    %get3A_42 = vector.shape_cast %get3A_41 : vector<1x256x128xf32> to vector<256x128xf32>
    %dot_general3A_43 = arith.constant dense<0.000000e+00> : vector<256x40xf32>
    %dot_general3A_44 = tpu.matmul %get3A_42, %get3A_3, %dot_general3A_43 {dimension_numbers = #tpu.dot_dimension_numbers<[1], [0], [0], [1], [0, 0, 1, 1], [], []>, transpose_lhs_hint = false} : vector<256x128xf32>, vector<128x40xf32>, vector<256x40xf32> -> vector<256x40xf32>
    %get3A_45 = arith.constant 6 : index
    %get3A_46 = arith.constant 0 : index
    %get3A_47 = arith.constant 0 : index
    %get3A_48 = vector.load %arg1[%get3A_45, %get3A_46, %get3A_47] : memref<8x256x128xf32, #tpu.memory_space<vmem>>, vector<1x256x128xf32>
    %get3A_49 = vector.shape_cast %get3A_48 : vector<1x256x128xf32> to vector<256x128xf32>
    %dot_general3A_50 = arith.constant dense<0.000000e+00> : vector<256x40xf32>
    %dot_general3A_51 = tpu.matmul %get3A_49, %get3A_3, %dot_general3A_50 {dimension_numbers = #tpu.dot_dimension_numbers<[1], [0], [0], [1], [0, 0, 1, 1], [], []>, transpose_lhs_hint = false} : vector<256x128xf32>, vector<128x40xf32>, vector<256x40xf32> -> vector<256x40xf32>
    %get3A_52 = arith.constant 7 : index
    %get3A_53 = arith.constant 0 : index
    %get3A_54 = arith.constant 0 : index
    %get3A_55 = vector.load %arg1[%get3A_52, %get3A_53, %get3A_54] : memref<8x256x128xf32, #tpu.memory_space<vmem>>, vector<1x256x128xf32>
    %get3A_56 = vector.shape_cast %get3A_55 : vector<1x256x128xf32> to vector<256x128xf32>
    %dot_general3A_57 = arith.constant dense<0.000000e+00> : vector<256x40xf32>
    %dot_general3A_58 = tpu.matmul %get3A_56, %get3A_3, %dot_general3A_57 {dimension_numbers = #tpu.dot_dimension_numbers<[1], [0], [0], [1], [0, 0, 1, 1], [], []>, transpose_lhs_hint = false} : vector<256x128xf32>, vector<128x40xf32>, vector<256x40xf32> -> vector<256x40xf32>
    %concatenate3A = tpu.concatenate %dot_general3A_9, %dot_general3A_16, %dot_general3A_23, %dot_general3A_30, %dot_general3A_37, %dot_general3A_44, %dot_general3A_51, %dot_general3A_58 in 0 : vector<256x40xf32>, vector<256x40xf32>, vector<256x40xf32>, vector<256x40xf32>, vector<256x40xf32>, vector<256x40xf32>, vector<256x40xf32>, vector<256x40xf32> -> vector<2048x40xf32>
    %get3A_59 = arith.constant 0 : index
    %get3A_60 = arith.constant 0 : index
    %get3A_61 = arith.constant 0 : index
    %get3A_62 = vector.load %arg4[%get3A_59, %get3A_60, %get3A_61] : memref<128x16x128xf32, #tpu.memory_space<vmem>>, vector<128x1x128xf32>
    %get3A_63 = vector.shape_cast %get3A_62 : vector<128x1x128xf32> to vector<128x128xf32>
    %get3A_64 = arith.constant 0 : index
    %get3A_65 = arith.constant 1 : index
    %get3A_66 = arith.constant 0 : index
    %get3A_67 = vector.load %arg4[%get3A_64, %get3A_65, %get3A_66] : memref<128x16x128xf32, #tpu.memory_space<vmem>>, vector<128x1x128xf32>
    %get3A_68 = vector.shape_cast %get3A_67 : vector<128x1x128xf32> to vector<128x128xf32>
    %get3A_69 = arith.constant 0 : index
    %get3A_70 = arith.constant 2 : index
    %get3A_71 = arith.constant 0 : index
    %get3A_72 = vector.load %arg4[%get3A_69, %get3A_70, %get3A_71] : memref<128x16x128xf32, #tpu.memory_space<vmem>>, vector<128x1x128xf32>
    %get3A_73 = vector.shape_cast %get3A_72 : vector<128x1x128xf32> to vector<128x128xf32>
    %get3A_74 = arith.constant 0 : index
    %get3A_75 = arith.constant 3 : index
    %get3A_76 = arith.constant 0 : index
    %get3A_77 = vector.load %arg4[%get3A_74, %get3A_75, %get3A_76] : memref<128x16x128xf32, #tpu.memory_space<vmem>>, vector<128x1x128xf32>
    %get3A_78 = vector.shape_cast %get3A_77 : vector<128x1x128xf32> to vector<128x128xf32>
    %get3A_79 = arith.constant 0 : index
    %get3A_80 = arith.constant 4 : index
    %get3A_81 = arith.constant 0 : index
    %get3A_82 = vector.load %arg4[%get3A_79, %get3A_80, %get3A_81] : memref<128x16x128xf32, #tpu.memory_space<vmem>>, vector<128x1x128xf32>
    %get3A_83 = vector.shape_cast %get3A_82 : vector<128x1x128xf32> to vector<128x128xf32>
    %get3A_84 = arith.constant 0 : index
    %get3A_85 = arith.constant 5 : index
    %get3A_86 = arith.constant 0 : index
    %get3A_87 = vector.load %arg4[%get3A_84, %get3A_85, %get3A_86] : memref<128x16x128xf32, #tpu.memory_space<vmem>>, vector<128x1x128xf32>
    %get3A_88 = vector.shape_cast %get3A_87 : vector<128x1x128xf32> to vector<128x128xf32>
    %get3A_89 = arith.constant 0 : index
    %get3A_90 = arith.constant 6 : index
    %get3A_91 = arith.constant 0 : index
    %get3A_92 = vector.load %arg4[%get3A_89, %get3A_90, %get3A_91] : memref<128x16x128xf32, #tpu.memory_space<vmem>>, vector<128x1x128xf32>
    %get3A_93 = vector.shape_cast %get3A_92 : vector<128x1x128xf32> to vector<128x128xf32>
    %get3A_94 = arith.constant 0 : index
    %get3A_95 = arith.constant 7 : index
    %get3A_96 = arith.constant 0 : index
    %get3A_97 = vector.load %arg4[%get3A_94, %get3A_95, %get3A_96] : memref<128x16x128xf32, #tpu.memory_space<vmem>>, vector<128x1x128xf32>
    %get3A_98 = vector.shape_cast %get3A_97 : vector<128x1x128xf32> to vector<128x128xf32>
    %get3A_99 = arith.constant 0 : index
    %get3A_100 = arith.constant 8 : index
    %get3A_101 = arith.constant 0 : index
    %get3A_102 = vector.load %arg4[%get3A_99, %get3A_100, %get3A_101] : memref<128x16x128xf32, #tpu.memory_space<vmem>>, vector<128x1x128xf32>
    %get3A_103 = vector.shape_cast %get3A_102 : vector<128x1x128xf32> to vector<128x128xf32>
    %get3A_104 = arith.constant 0 : index
    %get3A_105 = arith.constant 9 : index
    %get3A_106 = arith.constant 0 : index
    %get3A_107 = vector.load %arg4[%get3A_104, %get3A_105, %get3A_106] : memref<128x16x128xf32, #tpu.memory_space<vmem>>, vector<128x1x128xf32>
    %get3A_108 = vector.shape_cast %get3A_107 : vector<128x1x128xf32> to vector<128x128xf32>
    %get3A_109 = arith.constant 0 : index
    %get3A_110 = arith.constant 10 : index
    %get3A_111 = arith.constant 0 : index
    %get3A_112 = vector.load %arg4[%get3A_109, %get3A_110, %get3A_111] : memref<128x16x128xf32, #tpu.memory_space<vmem>>, vector<128x1x128xf32>
    %get3A_113 = vector.shape_cast %get3A_112 : vector<128x1x128xf32> to vector<128x128xf32>
    %get3A_114 = arith.constant 0 : index
    %get3A_115 = arith.constant 11 : index
    %get3A_116 = arith.constant 0 : index
    %get3A_117 = vector.load %arg4[%get3A_114, %get3A_115, %get3A_116] : memref<128x16x128xf32, #tpu.memory_space<vmem>>, vector<128x1x128xf32>
    %get3A_118 = vector.shape_cast %get3A_117 : vector<128x1x128xf32> to vector<128x128xf32>
    %get3A_119 = arith.constant 0 : index
    %get3A_120 = arith.constant 12 : index
    %get3A_121 = arith.constant 0 : index
    %get3A_122 = vector.load %arg4[%get3A_119, %get3A_120, %get3A_121] : memref<128x16x128xf32, #tpu.memory_space<vmem>>, vector<128x1x128xf32>
    %get3A_123 = vector.shape_cast %get3A_122 : vector<128x1x128xf32> to vector<128x128xf32>
    %get3A_124 = arith.constant 0 : index
    %get3A_125 = arith.constant 13 : index
    %get3A_126 = arith.constant 0 : index
    %get3A_127 = vector.load %arg4[%get3A_124, %get3A_125, %get3A_126] : memref<128x16x128xf32, #tpu.memory_space<vmem>>, vector<128x1x128xf32>
    %get3A_128 = vector.shape_cast %get3A_127 : vector<128x1x128xf32> to vector<128x128xf32>
    %get3A_129 = arith.constant 0 : index
    %get3A_130 = arith.constant 14 : index
    %get3A_131 = arith.constant 0 : index
    %get3A_132 = vector.load %arg4[%get3A_129, %get3A_130, %get3A_131] : memref<128x16x128xf32, #tpu.memory_space<vmem>>, vector<128x1x128xf32>
    %get3A_133 = vector.shape_cast %get3A_132 : vector<128x1x128xf32> to vector<128x128xf32>
    %get3A_134 = arith.constant 0 : index
    %get3A_135 = arith.constant 15 : index
    %get3A_136 = arith.constant 0 : index
    %get3A_137 = vector.load %arg4[%get3A_134, %get3A_135, %get3A_136] : memref<128x16x128xf32, #tpu.memory_space<vmem>>, vector<128x1x128xf32>
    %get3A_138 = vector.shape_cast %get3A_137 : vector<128x1x128xf32> to vector<128x128xf32>
    %concatenate3A_139 = tpu.concatenate %get3A_63, %get3A_68, %get3A_73, %get3A_78, %get3A_83, %get3A_88, %get3A_93, %get3A_98, %get3A_103, %get3A_108, %get3A_113, %get3A_118, %get3A_123, %get3A_128, %get3A_133, %get3A_138 in 1 : vector<128x128xf32>, vector<128x128xf32>, vector<128x128xf32>, vector<128x128xf32>, vector<128x128xf32>, vector<128x128xf32>, vector<128x128xf32>, vector<128x128xf32>, vector<128x128xf32>, vector<128x128xf32>, vector<128x128xf32>, vector<128x128xf32>, vector<128x128xf32>, vector<128x128xf32>, vector<128x128xf32>, vector<128x128xf32> -> vector<128x2048xf32>
    %get3A_140 = arith.constant 0 : index
    %get3A_141 = arith.constant 0 : index
    %get3A_142 = vector.load %arg7[%get3A_140, %get3A_141] : memref<40x128xf32, #tpu.memory_space<vmem>>, vector<40x128xf32>
    %dot_general3A_143 = arith.constant dense<0.000000e+00> : vector<40x128xf32>
    %dot_general3A_144 = tpu.matmul %concatenate3A, %concatenate3A_139, %dot_general3A_143 {dimension_numbers = #tpu.dot_dimension_numbers<[0], [1], [1], [0], [0, 1, 1, 0], [], []>, transpose_lhs_hint = false} : vector<2048x40xf32>, vector<128x2048xf32>, vector<40x128xf32> -> vector<40x128xf32>
    %add3A = arith.addf %get3A_142, %dot_general3A_144 : vector<40x128xf32>
    %swap3A = arith.constant 0 : index
    %swap3A_145 = arith.constant 0 : index
    %swap3A_146 = vector.load %arg7[%swap3A, %swap3A_145] : memref<40x128xf32, #tpu.memory_space<vmem>>, vector<40x128xf32>
    tpu.vector_store %arg7[%swap3A, %swap3A_145], %add3A {strides = array<i32>} : memref<40x128xf32, #tpu.memory_space<vmem>>, vector<40x128xf32>,
    %eq3A_147 = arith.constant 4 : i32
    %eq3A_148 = arith.cmpi eq, %arg0, %eq3A_147 : i32
    %convert_element_type3A_149 = arith.extui %eq3A_148 : i1 to i32
    %cond3A_150 = arith.constant 0 : i32
    %cond3A_151 = arith.cmpi ne, %convert_element_type3A_149, %cond3A_150 : i32
    scf.if %cond3A_151 {
      %get3A_152 = arith.constant 0 : index
      %get3A_153 = arith.constant 0 : index
      %get3A_154 = vector.load %arg7[%get3A_152, %get3A_153] : memref<40x128xf32, #tpu.memory_space<vmem>>, vector<40x128xf32>
      %slice3A = vector.extract_strided_slice %get3A_154 {offsets = [0, 0], sizes = [40, 64], strides = [1, 1]} : vector<40x128xf32> to vector<40x64xf32>
      %slice3A_155 = vector.extract_strided_slice %get3A_154 {offsets = [0, 64], sizes = [40, 64], strides = [1, 1]} : vector<40x128xf32> to vector<40x64xf32>
      %add3A_156 = arith.addf %slice3A, %slice3A_155 : vector<40x64xf32>
      %get3A_157 = arith.constant 0 : index
      %get3A_158 = vector.load %arg5[%get3A_157] : memref<128xf32, #tpu.memory_space<vmem>>, vector<128xf32>
      %slice3A_159 = vector.extract_strided_slice %get3A_158 {offsets = [0], sizes = [64], strides = [1]} : vector<128xf32> to vector<64xf32>
      %reshape3A = vector.shape_cast %slice3A_159 : vector<64xf32> to vector<1x64xf32>
      %max3A = arith.constant 1.000000e+00 : f32
      %max3A_160 = vector.broadcast %max3A : f32 to vector<1x64xf32>
      %max3A_161 = arith.maximumf %reshape3A, %max3A_160 : vector<1x64xf32>
      %div3A = vector.broadcast %max3A_161 : vector<1x64xf32> to vector<40x64xf32>
      %div3A_162 = arith.divf %add3A_156, %div3A : vector<40x64xf32>
      %get3A_163 = arith.constant 0 : index
      %get3A_164 = arith.constant 0 : index
      %get3A_165 = vector.load %arg3[%get3A_163, %get3A_164] : memref<1x40xf32, #tpu.memory_space<vmem>>, vector<1x40xf32>
      %transpose3A = tpu.transpose %get3A_165, [1, 0] : vector<1x40xf32> -> vector<40x1xf32>
      %gt3A = arith.constant 0.000000e+00 : f32
      %gt3A_166 = vector.broadcast %gt3A : f32 to vector<1x64xf32>
      %gt3A_167 = arith.cmpf ogt, %reshape3A, %gt3A_166 : vector<1x64xf32>
      %jit3A = arith.constant 1.000000e+00 : f32
      %jit3A_168 = arith.constant 0.000000e+00 : f32
      %broadcast_in_dim3A = vector.broadcast %jit3A : f32 to vector<1x64xf32>
      %broadcast_in_dim3A_169 = vector.broadcast %jit3A_168 : f32 to vector<1x64xf32>
      %select_n3A = arith.select %gt3A_167, %broadcast_in_dim3A, %broadcast_in_dim3A_169 : vector<1x64xi1>, vector<1x64xf32>
      %mul3A = vector.broadcast %transpose3A : vector<40x1xf32> to vector<40x64xf32>
      %mul3A_170 = vector.broadcast %select_n3A : vector<1x64xf32> to vector<40x64xf32>
      %mul3A_171 = arith.mulf %mul3A, %mul3A_170 : vector<40x64xf32>
      %add3A_172 = arith.addf %div3A_162, %mul3A_171 : vector<40x64xf32>
      %transpose3A_173 = tpu.transpose %add3A_172, [1, 0] : vector<40x64xf32> -> vector<64x40xf32>
      %swap3A_174 = arith.constant 0 : index
      %swap3A_175 = arith.constant 0 : index
      %swap3A_176 = vector.load %arg6[%swap3A_174, %swap3A_175] : memref<64x40xf32, #tpu.memory_space<vmem>>, vector<64x40xf32>
      tpu.vector_store %arg6[%swap3A_174, %swap3A_175], %transpose3A_173 {strides = array<i32>} : memref<64x40xf32, #tpu.memory_space<vmem>>, vector<64x40xf32>,
    } else {
    }
    return
  }
  func.func @transform_0(%arg0: i32) -> (i32, i32, i32) {
    %c0_i32 = arith.constant 0 : i32
    %c0_i32_0 = arith.constant 0 : i32
    %c0_i32_1 = arith.constant 0 : i32
    return %arg0, %c0_i32, %c0_i32_0 : i32, i32, i32
  }
  func.func @transform_1(%arg0: i32) -> (i32, i32) {
    %c0_i32 = arith.constant 0 : i32
    %c0_i32_0 = arith.constant 0 : i32
    %c0_i32_1 = arith.constant 0 : i32
    return %c0_i32, %c0_i32_0 : i32, i32
  }
  func.func @transform_2(%arg0: i32) -> (i32, i32) {
    %c0_i32 = arith.constant 0 : i32
    %c0_i32_0 = arith.constant 0 : i32
    %c0_i32_1 = arith.constant 0 : i32
    return %c0_i32, %c0_i32_0 : i32, i32
  }
  func.func @transform_3(%arg0: i32) -> (i32, i32, i32) {
    %c0_i32 = arith.constant 0 : i32
    %c0_i32_0 = arith.constant 0 : i32
    %c0_i32_1 = arith.constant 0 : i32
    return %c0_i32, %arg0, %c0_i32_0 : i32, i32, i32
  }
  func.func @transform_4(%arg0: i32) -> i32 {
    %c0_i32 = arith.constant 0 : i32
    %c0_i32_0 = arith.constant 0 : i32
    return %c0_i32 : i32
  }
  func.func @transform_5(%arg0: i32) -> (i32, i32) {
    %c0_i32 = arith.constant 0 : i32
    %c0_i32_0 = arith.constant 0 : i32
    %c0_i32_1 = arith.constant 0 : i32
    return %c0_i32, %c0_i32_0 : i32, i32
  }
}

</mosaic_0001>

<sc_bundles>
// kernel: kernel.4.cloned.1.call-start
scs
__scs_entry_jumppad:
0x0: {  	(pc) =	sbr.rel $0x88, $3  }
0x1: {  	(tag) =	ssettag $0x0;
	lr =	simm.s32 $0x1  }
0x2: {  	[smem:$0x3F9C] =	sst lr;
	_ =	strace $0xD0000000  }
0x3: {  	_ = 	snop  }
0x4: {  	_ = 	snop  }
0x5: {  	_ = 	snop  }
0x6: {  	_ = 	snop  }
0x7: {  	_ = 	snop  }
__scs_overlays_trampoline_lowered:
0x8: {  	[smem:$0x3FAB] =	sst s0  }
0x9: {  	[smem:$0x3FAC] =	sst s1  }
0xa: {  	[smem:$0x3FAD] =	sst s2  }
0xb: {  	[smem:$0x3FAE] =	sst s3  }
0xc: {  	[smem:$0x3FAF] =	sst s4  }
0xd: {  	[smem:$0x3FB0] =	sst s5  }
0xe: {  	[smem:$0x3FB1] =	sst s6  }
0xf: {  	[smem:$0x3FB2] =	sst s7  }
0x10: {  	[smem:$0x3FB3] =	sst s8  }
0x11: {  	[smem:$0x3FB4] =	sst s9;
	s0 =	simm.s32 @!p0 $0x0  }
0x12: {  	s1 =	sld [smem:$0x3F9A];
	s0 =	simm.s32 @p0 $0x1  }
0x13: {  	[smem:$0x3FB5] =	sst s0;
	s0 =	simm.s32 @!p1 $0x0  }
0x14: {  	s2 =	sld [smem:$0x3F99];
	s0 =	simm.s32 @p1 $0x1  }
0x15: {  	[smem:$0x3FB6] =	sst s0;
	s0 =	simm.s32 @!p2 $0x0  }
0x16: {  	s3 =	sld [smem:$0x3FDB];
	s0 =	simm.s32 @p2 $0x1  }
0x17: {  	s4 =	simm.s32 $0x1BF5;
	[smem:$0x3FB8] =	sst s0  }
0x18: {  	s0 =	sld [smem:$0x3F9B];
	_ =	swait.ge [sflag:s4], $0x0  }
0x19: {  	s7 =	sld [smem:$0x3F9C]  }
0x1a: {  	s8 =	sadd.s32 $0xFFFFE003, lr  }
0x1b: {  	s9 =	sadd.s32 $0xFFFFFEF7, lr;
	s5 =	simm.s32 $0xFFFFFFFF;
	p2 =	slt.u32 s8, $0xFFFFF086  }
0x1c: {  	p1 =	slt.u32 s9, $0xF7A;
	s5 =	simm.s32 @!p2 $0x0  }
0x1d: {  	s5 =	simm.s32 @p1 $0x1;
	p0 =	seq.s32 s7, s2  }
0x1e: {  	s7 =	smul.u32 @!p0 $0xF7A, s2;
	p2 =	seq.s32 @!p0 s5, $0x0  }
0x1f: {  	s9 =	smul.u32 $0xF7A, s1;
	s8 =	simm.s32 @!p0 $0x1BF5;
	p2 =	por !p2, p0  }
0x20: {  	[sflag:s8] =	ssyncset.s32 @!p0 $0xFFFFF086;
	s6 =	sadd.s32 @!p0 s3, s7;
	s7 =	simm.s32 @!p0 $0x108  }
0x21: {  	s3 =	sadd.s32 s3, s9;
	s6 =	sadd.s32 @!p0 $0x88, s6;
	s7 =	simm.s32 @p2 $0x1082  }
0x22: {  	[simem:s7], [sflag:s8] =	dma.local @!p0 [hbm:s6], $0xF7A  }
0x23: {  	s9 =	sor.u32 $0xD0000000, s2;
	s6 =	simm.s32 $0x108;
	_ =	swait.ge @!p0 [sflag:s8], $0x0  }
0x24: {  	s3 =	sadd.s32 $0x88, s3;
	s6 =	simm.s32 @!p1 $0x1082;
	[sflag:s4] =	ssyncset.s32 $0xFFFFF086  }
0x25: {  	[simem:s6], [sflag:s4] =	dma.local [hbm:s3], $0xF7A  }
0x26: {  	[smem:$0x3F9C] =	sst s1;
	(tag) =	ssettag s2;
	_ =	strace s9  }
0x27: {  	s1 =	sld [smem:$0x3FAC]  }
0x28: {  	s2 =	sld [smem:$0x3FAD]  }
0x29: {  	s4 =	sld [smem:$0x3FAF]  }
0x2a: {  	p0 =	seq.s32 s5, $0x0;
	s5 =	sld [smem:$0x3FB0]  }
0x2b: {  	s6 =	sld [smem:$0x3FB1]  }
0x2c: {  	s7 =	sld [smem:$0x3FB2]  }
0x2d: {  	s3 =	simm.s32 $0x108;
	s8 =	sld [smem:$0x3FB3]  }
0x2e: {  	s3 =	simm.s32 @!p0 $0x1082;
	s9 =	sld [smem:$0x3FB4]  }
0x2f: {  	lr =	sadd.s32 s0, s3;
	s0 =	sld [smem:$0x3FAB]  }
0x30: {  	s3 =	sld [smem:$0x3FAE]  }
0x31: {  	[smem:$0x3FB7] =	sst s10  }
0x32: {  	s10 =	sld [smem:$0x3FB5];
	_ =	sdelay $0x3  }
0x33: {  	p0 =	seq.s32 s10, $0x1;
	s10 =	sld [smem:$0x3FB7];
	_ =	sdelay $0x3  }
0x34: {  	[smem:$0x3FB7] =	sst s10  }
0x35: {  	s10 =	sld [smem:$0x3FB6];
	_ =	sdelay $0x3  }
0x36: {  	p1 =	seq.s32 s10, $0x1;
	s10 =	sld [smem:$0x3FB7];
	_ =	sdelay $0x3  }
0x37: {  	[smem:$0x3FB7] =	sst s10  }
0x38: {  	s10 =	sld [smem:$0x3FB8]  }
0x39: {  	_ = 	snop;
	(pc) =	sbr.ind lr, $3  }
0x3a: {  	_ = 	snop  }
0x3b: {  	_ = 	snop  }
0x3c: {  	p2 =	seq.s32 s10, $0x1;
	s10 =	sld [smem:$0x3FB7]  }
0x3d: {  	_ =	shalt  }
0x3e: {  	_ =	shalt  }
0x3f: {  	_ =	shalt  }
0x40: {  	_ =	shalt  }
0x41: {  	_ =	shalt  }
0x42: {  	_ =	shalt  }
0x43: {  	_ =	shalt  }
0x44: {  	_ =	shalt  }
0x45: {  	_ =	shalt  }
0x46: {  	_ =	shalt  }
0x47: {  	_ =	shalt  }
0x48: {  	_ =	shalt  }
0x49: {  	_ =	shalt  }
0x4a: {  	_ =	shalt  }
0x4b: {  	_ =	shalt  }
0x4c: {  	_ =	shalt  }
0x4d: {  	_ =	shalt  }
0x4e: {  	_ =	shalt  }
0x4f: {  	_ =	shalt  }
0x50: {  	_ =	shalt  }
0x51: {  	_ =	shalt  }
0x52: {  	_ =	shalt  }
0x53: {  	_ =	shalt  }
0x54: {  	_ =	shalt  }
0x55: {  	_ =	shalt  }
0x56: {  	_ =	shalt  }
0x57: {  	_ =	shalt  }
0x58: {  	_ =	shalt  }
0x59: {  	_ =	shalt  }
0x5a: {  	_ =	shalt  }
0x5b: {  	_ =	shalt  }
0x5c: {  	_ =	shalt  }
0x5d: {  	_ =	shalt  }
0x5e: {  	_ =	shalt  }
0x5f: {  	_ =	shalt  }
0x60: {  	_ =	shalt  }
0x61: {  	_ =	shalt  }
0x62: {  	_ =	shalt  }
0x63: {  	_ =	shalt  }
0x64: {  	_ =	shalt  }
0x65: {  	_ =	shalt  }
0x66: {  	_ =	shalt  }
0x67: {  	_ =	shalt  }
0x68: {  	_ =	shalt  }
0x69: {  	_ =	shalt  }
0x6a: {  	_ =	shalt  }
0x6b: {  	_ =	shalt  }
0x6c: {  	_ =	shalt  }
0x6d: {  	_ =	shalt  }
0x6e: {  	_ =	shalt  }
0x6f: {  	_ =	shalt  }
0x70: {  	_ =	shalt  }
0x71: {  	_ =	shalt  }
0x72: {  	_ =	shalt  }
0x73: {  	_ =	shalt  }
0x74: {  	_ =	shalt  }
0x75: {  	_ =	shalt  }
0x76: {  	_ =	shalt  }
0x77: {  	_ =	shalt  }
0x78: {  	_ =	shalt  }
0x79: {  	_ =	shalt  }
0x7a: {  	_ =	shalt  }
0x7b: {  	_ =	shalt  }
0x7c: {  	_ =	shalt  }
0x7d: {  	_ =	shalt  }
0x7e: {  	_ =	shalt  }
0x7f: {  	_ =	shalt  }
0x80: {  	_ =	shalt  }
0x81: {  	_ =	shalt  }
0x82: {  	_ =	shalt  }
0x83: {  	_ =	shalt  }
0x84: {  	_ =	shalt  }
0x85: {  	_ =	shalt  }
0x86: {  	_ =	shalt  }
0x87: {  	_ =	shalt  }
.Lfunc_end0:
.L_simem_size_0:
called_computation_lowered:
.L_overlay_start_0:
0x88: {  	s2 =	sld [smem:$0x3FD9]  }
0x89: {  	s3 =	sld [smem:$0x3FFE];
	_ =	sdelay $0x1  }
0x8a: {  	s1 =	srdreg.scid  }
0x8b: {  	s0 =	sand.u32 $0x1, s1  }
0x8c: {  	s17 =	sshll.u32 s0, $0xA;
	s2 =	sadd.s32 s3, s2  }
0x8d: {  	s2 =	sadd.s32 s2, s17  }
0x8e: {  	[smem:$0x3FC3] =	sst s2  }
0x8f: {  	_ = 	snop  }
0x90: {  	s2 =	sld [smem:$0x3FC7]  }
0x91: {  	s18 =	sld [smem:$0x3FD0];
	(tm) =	ssettm $0x1  }
0x92: {  	s4 =	sld [smem:$0x3FFB];
	_ =	sdelay $0x3  }
0x93: {  	_ =	strace s4  }
0x94: {  	s4 =	sld [smem:$0x3FFC];
	_ =	sdelay $0x3  }
0x95: {  	_ =	strace s4  }
0x96: {  	s4 =	sld [smem:$0x3FFD];
	_ =	sdelay $0x3  }
0x97: {  	_ =	strace s4  }
0x98: {  	_ =	strace $0x8FFFFFFF  }
0x99: {  	s19 =	sld [smem:$0x3FDB];
	_ =	sdelay $0x1  }
0x9a: {  	s5 =	simm.s32 $_scs_section_size  }
0x9b: {  	s6 =	simm.s32 $_size__tile_overlayer_lowered;
	s7 =	simm.s32 $_tile_overlayer_lowered  }
0x9c: {  	s22 =	simm.s32 $0x1BFF;
	s21 =	sshll.u32 s7, $0x1;
	s4 =	sadd.s32 s5, s19  }
0x9d: {  	s8 =	simm.s32 $0x0;
	s20 =	sshll.u32 s6, $0x1;
	s6 =	sadd.s32 s21, s4  }
0x9e: {  	[timem:s8], [sflag:s22] =	dma.local [hbm:s6], s20  }
0x9f: {  	_ =	swait.ge [sflag:s22], s20  }
0xa0: {  	s5 =	ssub.s32 $0x0, s20;
	[sflag:s22] =	ssyncset.done $0x0  }
0xa1: {  	[sflag:s22] =	ssyncadd.s32 s5;
	_ =	sdelay $0x1  }
0xa2: {  	s23 =	simm.s32 $0x1B8B  }
0xa3: {  	_ =	swait.ge [sflag:s23], $0x1  }
0xa4: {  	[sflag:s23] =	ssyncset.done $0x0  }
0xa5: {  	s25 =	simm.s32 $0x1B8E;
	s24 =	sld [smem:$0x3FFE];
	[sflag:s23] =	ssyncadd.s32 $0xFFFFFFFF  }
0xa6: {  	s26 =	simm.s32 $execute0_lowered;
	[smem:$0x3FD2] =	sst s25  }
0xa7: {  	s6 =	sshll.u32 s26, $0x1;
	_ =	strace $0x80000046;
	[dreg:$0x1] =	wrdreg $0xFFFFFFFF  }
0xa8: {  	s28 =	simm.s32 $_size_execute0_lowered;
	s4 =	sadd.s32 s4, s6;
	[dreg:$0x0] =	wrdreg $0x0  }
0xa9: {  	s6 =	sshll.u32 s28, $0x1;
	[dreg:$0x2] =	wrdreg s4  }
0xaa: {  	[dreg:$0x3] =	wrdreg s6  }
0xab: {  	[dreg:$0x4] =	wrdreg $0xC0  }
0xac: {  	_ =	task [dreg:s8], $0x5FFFF  }
0xad: {  	[dreg:$0x1] =	wrdreg $0xFFFFFFFF  }
0xae: {  	[dreg:$0x0] =	wrdreg $0x60  }
0xaf: {  	[dreg:$0x2] =	wrdreg s24  }
0xb0: {  	[dreg:$0x3] =	wrdreg s2  }
0xb1: {  	[dreg:$0x4] =	wrdreg s18  }
0xb2: {  	[dreg:$0x5] =	wrdreg $0x123800  }
0xb3: {  	[dreg:$0x6] =	wrdreg $0x128800  }
0xb4: {  	[dreg:$0x7] =	wrdreg $0x126000  }
0xb5: {  	[dreg:$0x8] =	wrdreg $0x9  }
0xb6: {  	_ =	task.clear_ibuf [dreg:s8], $0x9FFFF;
	_ =	strace $0x90000046  }
0xb7: {  	s29 =	simm.s32 $0x9;
	_ =	strace $0x80000048  }
0xb8: {  	_ =	swait.ge [sflag:s29], $0x1  }
0xb9: {  	[sflag:s29] =	ssyncadd.s32 $0xFFFFFFFF  }
0xba: {  	_ =	strace $0x90000048  }
0xbb: {  	_ =	sfence  }
0xbc: {  	s30 =	sld [smem:$0x0];
	_ =	sdelay $0x2  }
0xbd: {  	s31 =	sshll.u32 s1, $0xD;
	s1 =	sshrl.u32 s1, $0x2  }
0xbe: {  	s3 =	sand.u32 $0x4000, s31;
	s1 =	sadd.s32 s1, s30  }
0xbf: {  	s0 =	sor.u32 s3, s0;
	s1 =	sshll.u32 s1, $0x11  }
0xc0: {  	s0 =	sor.u32 s1, s0  }
0xc1: {  	s0 =	sadd.s32 $0x8F2B, s0  }
0xc2: {  	[sflag:s0] =	ssyncadd.remote.s32 $0x1  }
0xc3: {  	_ =	sfence.sel $0xFFFF  }
0xc4: {  	[dreg:$0x0] =	wrdreg $0xFFFFFFFF;
	(pc) =	sbr.abs _section_cstart, $3  }
0xc5: {  	[dreg:$0x1] =	wrdreg $0xFFFFFFFF  }
0xc6: {  	_ =	task.clear_ibuf [dreg:s8], $0x2FFFF;
	_ =	strace $0x9FFFFFFF  }
0xc7: {  	(tm) =	ssettm $0x7FFFFFFF  }
tec
execute0_lowered:
.L_overlay_start_1:
0x0: {  	(tag) =	ssettag $0x1  }
0x1: {  	s0 =	rddreg [dreg:$0x0]  }
0x2: {  	s24 =	rddreg [dreg:$0x1]  }
0x3: {  	s15 =	rddreg [dreg:$0x2]  }
0x4: {  	s3 =	rddreg [dreg:$0x3]  }
0x5: {  	s4 =	rddreg [dreg:$0x4]  }
0x6: {  	s16 =	rddreg [dreg:$0x5]  }
0x7: {  	s1 =	srdreg.scid;
	s2 =	stileid.u32  }
0x8: {  	s6 =	simm.s32 $0x0;
	s29 =	simm.s32 $0x4F00;
	s30 =	simm.s32 $0xD980  }
0x9: {  	s31 =	simm.s32 $0xA180;
	s28 =	simm.s32 $0xC980;
	s5 =	smul.u32 $0xA000, s2  }
0xa: {  	s1 =	sand.u32 $0x1, s1;
	[smem:$0x7FF] =	sst s6;
	s11 =	smul.u32 $0x4E20, s2  }
0xb: {  	s9 =	sadd.s32 $0x1800, s0;
	s7 =	smul.u32 $0xA0000, s1;
	s8 =	sshll.u32 s1, $0x4  }
0xc: {  	p0 =	sne.s32 s2, $0x0;
	_ =	strace $0x80000047;
	s8 =	sor.u32 s2, s8  }
0xd: {  	s10 =	ssub.s32 $0x2, s1;
	s7 =	sadd.s32 s5, s7;
	s8 =	smul.u32 $0x2710, s8  }
0xe: {  	p1 =	sne.s32 s1, $0x0;
	s23 =	sshrl.u32 s10, $0x1;
	s7 =	sshrl.u32 s7, $0x3  }
0xf: {  	s11 =	sshrl.u32 s11, $0x3;
	s0 =	sadd.s32 s7, s0;
	s8 =	sshrl.u32 s8, $0x3  }
0x10: {  	s7 =	ssub.s32 s10, s23;
	s23 =	sadd.s32 s5, s4;
	s12 =	sadd.s32 s9, s8  }
0x11: {  	s5 =	simm.s32 $0xFA0;
	s10 =	sadd.s32 $0x5000, s23;
	[dreg:$0x7] =	wrdreg s12  }
0x12: {  	s9 =	sadd.s32 s9, s11;
	s11 =	sadd.s32 $0x7800, s23;
	[dreg:$0xb] =	wrdreg s10  }
0x13: {  	s8 =	smul.u32 $0x280, s2;
	s19 =	sadd.s32 $0x15200, s0;
	[dreg:$0xc] =	wrdreg s11  }
0x14: {  	s22 =	sadd.s32 $0x2800, s23;
	s20 =	sadd.s32 $0x15700, s0;
	[dreg:$0x12] =	wrdreg s19  }
0x15: {  	s2 =	sor.u32 s2, s1;
	s21 =	sadd.s32 $0x15C00, s0;
	[dreg:$0x13] =	wrdreg s20  }
0x16: {  	s0 =	sadd.s32 $0x16100, s0;
	s1 =	simm.s32 $0x4;
	[dreg:$0x14] =	wrdreg s21  }
0x17: {  	s25 =	sadd.s32 $0x9C40, s12;
	s26 =	sadd.s32 $0x9C40, s9;
	[dreg:$0x15] =	wrdreg s0  }
0x18: {  	s12 =	sadd.s32 $0xA0000, s4;
	s13 =	sadd.s32 $0x9E34, s9;
	[dreg:$0x8] =	wrdreg s25  }
0x19: {  	s14 =	sadd.s32 $0xA028, s9;
	s17 =	sadd.s32 $0xA21C, s9;
	[dreg:$0x9] =	wrdreg s26  }
0x1a: {  	s18 =	sadd.s32 $0xA410, s9;
	p2 =	sne.s32 s2, $0x0;
	[dreg:$0xd] =	wrdreg s12  }
0x1b: {  	s0 =	simm.s32 $0xC;
	s9 =	simm.s32 $0x5;
	[dreg:$0xe] =	wrdreg s13  }
0x1c: {  	s10 =	simm.s32 $0x6;
	s19 =	simm.s32 $0x7700;
	[dreg:$0xf] =	wrdreg s14  }
0x1d: {  	s20 =	simm.s32 $0xB;
	s21 =	simm.s32 $0x0;
	[dreg:$0x10] =	wrdreg s17  }
0x1e: {  	s3 =	sadd.s32 s8, s3;
	[dreg:$0x11] =	wrdreg s18;
	s25 =	smax.u32 s7, $0x1  }
0x1f: {  	s26 =	sadd.s32 s8, s16;
	s17 =	simm.s32 $0x7;
	[dreg:$0xa] =	wrdreg s3  }
0x20: {  	s7 =	simm.s32 $0x7D0;
	s18 =	simm.s32 $0x8;
	[dreg:$0x16] =	wrdreg s25  }
0x21: {  	v0 =	vimm.f32 $0.0e+00;
	v1 =	vimm.f32 $1.000000000e+00;
	v2 =	vlaneseq.u32;
	[dreg:$0x17] =	wrdreg s26;
	s25 =	simm.s32 $0x9;
	s26 =	simm.s32 $0xA  }
.LBB2_1:
0x22: {  	s2 =	rddreg [dreg:$0x7];
	s3 =	simm.s32 $0x2780  }
0x23: {  	[tilespmem:s3], [sflag:$0x1] =	stream.linear.gather [hbm4b:s2+s6], $0x2710, $0x38;
	[tilespmem:$0x1C888] =	vst v63  }
0x24: {  	s13 =	rddreg [dreg:$0x8]  }
0x25: {  	[tilespmem:s6], [sflag:$0x2] =	stream.linear.gather [hbm4b:s13+s6], $0x2710, $0x38;
	[tilespmem:$0x1C888] =	vst v63  }
0x26: {  	_ = 	snop  }
0x27: {  	[tilespmem:s29], [sflag:$0x3] =	stream.linear.gather [hbm4b:s24+s6], $0x2710, $0x38;
	[tilespmem:$0x1C888] =	vst v63  }
0x28: {  	s14 =	rddreg [dreg:$0x9];
	s11 =	simm.s32 $0x0  }
0x29: {  	[tilespmem:s30], [sflag:$0x4] =	stream.linear.gather [hbm4b:s14+s6], $0xFA0, $0x38;
	[tilespmem:$0x1C888] =	vst v63  }
.LBB2_2:
0x2a: {  	p3 =	sne.s32 s11, $0x9FC0  }
.Ltmp0:
0x2b: {  	_ = 	snop;
	(pc) =	sbr.rel @p3 .LBB2_2-.Ltmp0, $3  }
0x2c: {  	_ =	sdelay $0x1  }
0x2d: {  	s13 =	sshra.s32 s11, $0x2  }
0x2e: {  	s11 =	sadd.s32 $0x40, s11;
	[tilespmem:s13+$0xA180] =	vst v0  }
0x2f: {  	s11 =	simm.s32 $0x40;
	s13 =	simm.s32 $0x0  }
.LBB2_4:
0x30: {  	p3 =	sne.s32 s11, $0x3E40;
	[tilespmem:s13+$0xC980] =	vst v1;
	s13 =	smov.u32 s11;
	s11 =	sadd.s32 $0x40, s11  }
.Ltmp1:
0x31: {  	(pc) =	sbr.rel @p3 .LBB2_4-.Ltmp1, $2  }
0x32: {  	_ =	sdelay $0x2  }
0x33: {  	s13 =	sshra.s32 s13, $0x2  }
0x34: {  	[tilespmem:s13+$0xC980] =	vst v1;
	s2 =	rddreg [dreg:$0xa]  }
0x35: {  	[spmem:s2] =	stream.linear.scatter [tilespmem:s31], [sflag:$0xC], $0x280, $0x38;
	[tilespmem:$0x1C888] =	vst v63  }
0x36: {  	_ =	swait.ge [sflag:s0], $0x280  }
0x37: {  	[sflag:s0] =	ssyncset.done $0x0  }
0x38: {  	[sflag:s0] =	ssyncadd.s32 $0xFFFFFD80  }
0x39: {  	[spmem:s23] =	stream.linear.scatter [tilespmem:s31], [sflag:$0xC], $0x2800, $0x38;
	[tilespmem:$0x1C888] =	vst v63  }
0x3a: {  	_ =	swait.ge [sflag:s0], $0x2800  }
0x3b: {  	[sflag:s0] =	ssyncset.done $0x0  }
0x3c: {  	[sflag:s0] =	ssyncadd.s32 $0xFFFFD800  }
0x3d: {  	[spmem:s22] =	stream.linear.scatter [tilespmem:s31], [sflag:$0xC], $0x2800, $0x38;
	[tilespmem:$0x1C888] =	vst v63  }
0x3e: {  	_ =	swait.ge [sflag:s0], $0x2800  }
0x3f: {  	[sflag:s0] =	ssyncset.done $0x0  }
0x40: {  	s11 =	rddreg [dreg:$0xb];
	[sflag:s0] =	ssyncadd.s32 $0xFFFFD800  }
0x41: {  	[spmem:s11] =	stream.linear.scatter [tilespmem:s31], [sflag:$0xC], $0x2800, $0x38;
	[tilespmem:$0x1C888] =	vst v63  }
0x42: {  	_ =	swait.ge [sflag:s0], $0x2800  }
0x43: {  	[sflag:s0] =	ssyncset.done $0x0  }
0x44: {  	s13 =	rddreg [dreg:$0xc];
	[sflag:s0] =	ssyncadd.s32 $0xFFFFD800  }
0x45: {  	[spmem:s13] =	stream.linear.scatter [tilespmem:s31], [sflag:$0xC], $0x2800, $0x38;
	[tilespmem:$0x1C888] =	vst v63  }
0x46: {  	_ =	swait.ge [sflag:s0], $0x2800  }
0x47: {  	[sflag:s0] =	ssyncset.done $0x0  }
0x48: {  	s11 =	simm.s32 @!p0 $0xA180;
	s13 =	rddreg [dreg:$0xd];
	[sflag:s0] =	ssyncadd.s32 $0xFFFFD800  }
0x49: {  	[spmem:s13] =	stream.linear.scatter @!p0 [tilespmem:s11], [sflag:$0xC], $0x80, $0x38;
	[tilespmem:$0x1C888] =	vst v63  }
0x4a: {  	s11 =	simm.s32 @!p0 $0xC  }
0x4b: {  	_ =	swait.ge @!p0 [sflag:s11], $0x80  }
0x4c: {  	[sflag:s11] =	ssyncset.done @!p0 $0x0  }
0x4d: {  	[sflag:s11] =	ssyncadd.s32 @!p0 $0xFFFFFF80  }
0x4e: {  	[bflag:$0x0] =	sbarrier.arrive $0xFFFF  }
0x4f: {  	_ =	swait.ge [sflag:s1], $0xFA0  }
0x50: {  	s12 =	smov.u32 s22;
	s22 =	simm.s32 $0xE980;
	[sflag:s1] =	ssyncset.done $0x0  }
0x51: {  	s11 =	simm.s32 $0x0;
	s14 =	rddreg [dreg:$0xe];
	[sflag:s1] =	ssyncadd.s32 $0xFFFFF060  }
0x52: {  	[tilespmem:s22], [sflag:$0x5] =	stream.linear.gather [hbm4b:s14+s11], $0xFA0, $0x38;
	[tilespmem:$0x1C888] =	vst v63  }
0x53: {  	s13 =	rddreg [dreg:$0x3]  }
0x54: {  	[spmem:s13] =	stream.indirect.scatter.add.f32 [tilespmem:s28], [sflag:$0x6], $0x1, s30, s5, $0xb8;
	[tilespmem:$0x1C888] =	vst v63  }
0x55: {  	_ =	swait.ge [sflag:s9], $0xFA0  }
0x56: {  	[sflag:s9] =	ssyncset.done $0x0  }
0x57: {  	[sflag:s9] =	ssyncadd.s32 $0xFFFFF060  }
0x58: {  	_ =	swait.ge [sflag:s10], $0xFA0  }
0x59: {  	[sflag:s10] =	ssyncset.done $0x0  }
0x5a: {  	s14 =	rddreg [dreg:$0xf];
	[sflag:s10] =	ssyncadd.s32 $0xFFFFF060  }
0x5b: {  	[tilespmem:s30], [sflag:$0x4] =	stream.linear.gather [hbm4b:s14+s11], $0xFA0, $0x38;
	[tilespmem:$0x1C888] =	vst v63  }
0x5c: {  	_ = 	snop  }
0x5d: {  	[spmem:s13] =	stream.indirect.scatter.add.f32 [tilespmem:s28], [sflag:$0x7], $0x1, s22, s5, $0xb8;
	[tilespmem:$0x1C888] =	vst v63  }
0x5e: {  	_ =	swait.ge [sflag:s1], $0xFA0  }
0x5f: {  	[sflag:s1] =	ssyncset.done $0x0  }
0x60: {  	[sflag:s1] =	ssyncadd.s32 $0xFFFFF060  }
0x61: {  	_ =	swait.ge [sflag:s17], $0xFA0  }
0x62: {  	[sflag:s17] =	ssyncset.done $0x0  }
0x63: {  	s3 =	smov.u32 s23;
	s23 =	rddreg [dreg:$0x10];
	[sflag:s17] =	ssyncadd.s32 $0xFFFFF060  }
0x64: {  	[tilespmem:s22], [sflag:$0x5] =	stream.linear.gather [hbm4b:s23+s11], $0xFA0, $0x38;
	[tilespmem:$0x1C888] =	vst v63  }
0x65: {  	_ = 	snop  }
0x66: {  	[spmem:s13] =	stream.indirect.scatter.add.f32 [tilespmem:s28], [sflag:$0x6], $0x1, s30, s5, $0xb8;
	[tilespmem:$0x1C888] =	vst v63  }
0x67: {  	_ =	swait.ge [sflag:s9], $0xFA0  }
0x68: {  	[sflag:s9] =	ssyncset.done $0x0  }
0x69: {  	[sflag:s9] =	ssyncadd.s32 $0xFFFFF060  }
0x6a: {  	_ =	swait.ge [sflag:s10], $0xFA0  }
0x6b: {  	[sflag:s10] =	ssyncset.done $0x0  }
0x6c: {  	s23 =	rddreg [dreg:$0x11];
	[sflag:s10] =	ssyncadd.s32 $0xFFFFF060  }
0x6d: {  	[tilespmem:s30], [sflag:$0x4] =	stream.linear.gather [hbm4b:s23+s11], $0xFA0, $0x38;
	[tilespmem:$0x1C888] =	vst v63  }
0x6e: {  	_ = 	snop  }
0x6f: {  	[spmem:s13] =	stream.indirect.scatter.add.f32 [tilespmem:s28], [sflag:$0x7], $0x1, s22, s5, $0xb8;
	[tilespmem:$0x1C888] =	vst v63  }
0x70: {  	_ =	swait.ge [sflag:s1], $0xFA0  }
0x71: {  	[sflag:s1] =	ssyncset.done $0x0  }
0x72: {  	[sflag:s1] =	ssyncadd.s32 $0xFFFFF060  }
0x73: {  	[spmem:s13] =	stream.indirect.scatter.add.f32 [tilespmem:s28], [sflag:$0x6], $0x1, s30, s5, $0xb8;
	[tilespmem:$0x1C888] =	vst v63  }
0x74: {  	_ =	swait.ge [sflag:s17], $0xFA0  }
0x75: {  	[sflag:s17] =	ssyncset.done $0x0  }
0x76: {  	[sflag:s17] =	ssyncadd.s32 $0xFFFFF060  }
0x77: {  	_ =	swait.ge [sflag:s10], $0xFA0  }
0x78: {  	[sflag:s10] =	ssyncset.done $0x0  }
0x79: {  	[sflag:s10] =	ssyncadd.s32 $0xFFFFF060  }
0x7a: {  	s23 =	simm.s32 $0x9F00;
	[bflag:$0x0] =	sbarrier.arrive $0xFFFF  }
0x7b: {  	[tilespmem:s23], [sflag:$0xC] =	stream.linear.gather [spmem:s2], $0x280, $0x38;
	[tilespmem:$0x1C888] =	vst v63  }
0x7c: {  	_ =	swait.ge [sflag:s0], $0x280  }
0x7d: {  	[sflag:s0] =	ssyncset.done $0x0  }
0x7e: {  	s22 =	simm.s32 $0x0;
	s23 =	simm.s32 $0x40;
	[sflag:s0] =	ssyncadd.s32 $0xFFFFFD80  }
.LBB2_6:
0x7f: {  	p3 =	sne.s32 s23, $0x9C0;
	v3 =	vld [tilespmem:s22+$0x9F00];
	_ =	sdelay $0x4  }
0x80: {  	v3 =	vadd.f32 $1.000000000e+00, v3;
	_ =	sdelay $0x1  }
0x81: {  	v4 =	vmul.f32 $5.000000000e-01, v3;
	v3 =	vshra.s32 v3, $0x1  }
0x82: {  	v3 =	vsub.s32 $0x5F3759DF, v3  }
0x83: {  	v5 =	vmul.f32 v3, v4;
	_ =	sdelay $0x1  }
0x84: {  	v5 =	vmul.f32 v3, v5;
	_ =	sdelay $0x1  }
0x85: {  	v5 =	vsub.f32 $1.500000000e+00, v5;
	_ =	sdelay $0x1  }
0x86: {  	v3 =	vmul.f32 v3, v5;
	_ =	sdelay $0x1  }
0x87: {  	v5 =	vmul.f32 v3, v4;
	_ =	sdelay $0x1  }
0x88: {  	v5 =	vmul.f32 v5, v3;
	_ =	sdelay $0x1  }
0x89: {  	v5 =	vsub.f32 $1.500000000e+00, v5;
	_ =	sdelay $0x1  }
0x8a: {  	v3 =	vmul.f32 v5, v3;
	_ =	sdelay $0x1  }
0x8b: {  	v4 =	vmul.f32 v3, v4;
	_ =	sdelay $0x1  }
0x8c: {  	v4 =	vmul.f32 v4, v3;
	_ =	sdelay $0x1  }
.Ltmp2:
0x8d: {  	v4 =	vsub.f32 $1.500000000e+00, v4;
	(pc) =	sbr.rel @p3 .LBB2_6-.Ltmp2, $3  }
0x8e: {  	_ = 	snop  }
0x8f: {  	v3 =	vmul.f32 v4, v3;
	_ =	sdelay $0x1  }
0x90: {  	[tilespmem:s22+$0x9F00] =	vst v3;
	s22 =	sshra.s32 s23, $0x2;
	s23 =	sadd.s32 $0x40, s23  }
0x91: {  	v3 =	vld [tilespmem:s22+$0x9F00];
	_ =	sdelay $0x4  }
0x92: {  	v3 =	vadd.f32 $1.000000000e+00, v3;
	_ =	sdelay $0x1  }
0x93: {  	v4 =	vmul.f32 $5.000000000e-01, v3;
	v3 =	vshra.s32 v3, $0x1  }
0x94: {  	v3 =	vsub.s32 $0x5F3759DF, v3  }
0x95: {  	v5 =	vmul.f32 v3, v4;
	_ =	sdelay $0x1  }
0x96: {  	v5 =	vmul.f32 v3, v5;
	_ =	sdelay $0x1  }
0x97: {  	v5 =	vsub.f32 $1.500000000e+00, v5;
	_ =	sdelay $0x1  }
0x98: {  	v3 =	vmul.f32 v3, v5;
	_ =	sdelay $0x1  }
0x99: {  	v5 =	vmul.f32 v3, v4;
	_ =	sdelay $0x1  }
0x9a: {  	v5 =	vmul.f32 v5, v3;
	_ =	sdelay $0x1  }
0x9b: {  	v5 =	vsub.f32 $1.500000000e+00, v5;
	_ =	sdelay $0x1  }
0x9c: {  	v3 =	vmul.f32 v5, v3;
	_ =	sdelay $0x1  }
0x9d: {  	v4 =	vmul.f32 v3, v4;
	_ =	sdelay $0x1  }
0x9e: {  	v4 =	vmul.f32 v4, v3;
	_ =	sdelay $0x1  }
0x9f: {  	v4 =	vsub.f32 $1.500000000e+00, v4;
	_ =	sdelay $0x1  }
0xa0: {  	v3 =	vmul.f32 v4, v3;
	_ =	sdelay $0x1  }
0xa1: {  	s2 =	rddreg [dreg:$0x17];
	s11 =	simm.s32 $0x9F00;
	[tilespmem:s22+$0x9F00] =	vst v3  }
0xa2: {  	[spmem:s2] =	stream.linear.scatter [tilespmem:s11], [sflag:$0xC], $0x280, $0x38;
	[tilespmem:$0x1C888] =	vst v63  }
0xa3: {  	_ =	swait.ge [sflag:s0], $0x280  }
0xa4: {  	[sflag:s0] =	ssyncset.done $0x0  }
0xa5: {  	[sflag:s0] =	ssyncadd.s32 $0xFFFFFD80  }
0xa6: {  	[bflag:$0x0] =	sbarrier.arrive $0xFFFF  }
0xa7: {  	[tilespmem:s19], [sflag:$0xC] =	stream.linear.gather [spmem:s16], $0x2800, $0x38;
	[tilespmem:$0x1C888] =	vst v63  }
0xa8: {  	_ =	swait.ge [sflag:s0], $0x2800  }
0xa9: {  	[sflag:s0] =	ssyncset.done $0x0  }
0xaa: {  	s14 =	simm.s32 $0x1;
	[sflag:s0] =	ssyncadd.s32 $0xFFFFD800  }
0xab: {  	_ =	swait.ge [sflag:s14], $0x2710  }
0xac: {  	[sflag:s14] =	ssyncset.done $0x0  }
0xad: {  	s22 =	simm.s32 $0x2;
	[sflag:s14] =	ssyncadd.s32 $0xFFFFD8F0  }
0xae: {  	_ =	swait.ge [sflag:s22], $0x2710  }
.Ltmp3:
0xaf: {  	[sflag:s22] =	ssyncset.done $0x0;
	(pc) =	sbr.rel @p1 .LBB2_11-.Ltmp3, $4  }
0xb0: {  	s23 =	simm.s32 $0x3;
	[sflag:s22] =	ssyncadd.s32 $0xFFFFD8F0  }
0xb1: {  	_ =	swait.ge [sflag:s23], $0x2710  }
0xb2: {  	[sflag:s23] =	ssyncset.done $0x0  }
0xb3: {  	[sflag:s23] =	ssyncadd.s32 $0xFFFFD8F0  }
0xb4: {  	s11 =	simm.s32 $0x0;
	s13 =	sadd.s32 $0x0, s8  }
0xb5: {  	s22 =	sand.u32 $0x7F80, s13;
	s11 =	sand.u32 $0x70, s11  }
0xb6: {  	s11 =	sor.u32 s11, s22  }
0xb7: {  	v3 =	vld [tilespmem:s11+$0x4F00];
	_ =	sdelay $0x2  }
0xb8: {  	v4 =	vld [tilespmem:s11+$0x7700];
	_ =	sdelay $0x1  }
0xb9: {  	v5 =	vmul.u32 $0x2800, v3;
	_ =	sdelay $0x1  }
0xba: {  	v6 =	vmov s13;
	v5 =	vadd.s32 s13, v5  }
0xbb: {  	vm0 =	vlt.u32 v6, $0x2710;
	v4 =	vmul.f32 v4, v4;
	v5 =	vadd.s32 v2, v5  }
0xbc: {  	s23 =	simm.s32 $0x11E90;
	v5 =	vnsel vm0, $0x0, v5  }
0xbd: {  	s2 =	smov.u32 s16;
	s16 =	smov.u32 s15;
	s22 =	simm.s32 $0x11990;
	v3 =	vadd.s32 $0xA0000, v3;
	v4 =	vnsel vm0, $0x0, v4;
	[tilespmem:s23+$0xFFFFFFF0] =	vst v5  }
0xbe: {  	s15 =	smov.u32 s24;
	s24 =	sadd.s32 $0x10, s8;
	v3 =	vnsel vm0, $0x0, v3;
	s13 =	simm.s32 $0x10;
	[tilespmem:s22+$0xFFFFFFF0] =	vst v4  }
0xbf: {  	s14 =	sand.u32 $0x7F80, s24;
	s11 =	sand.u32 $0x70, s13;
	[tilespmem:s23+$0x0] =	vst v3;
	v3 =	vsel vm0, $0x3F800000, v0  }
0xc0: {  	s13 =	sor.u32 s11, s14;
	[tilespmem:s22+$0x0] =	vst v3  }
0xc1: {  	s11 =	simm.s32 $0x20;
	v3 =	vld [tilespmem:s13+$0x4F00]  }
.LBB2_9:
0xc2: {  	p3 =	sne.s32 s11, $0x270;
	v4 =	vld [tilespmem:s13+$0x7700];
	_ =	sdelay $0x3  }
0xc3: {  	v5 =	vmul.u32 $0x2800, v3;
	v3 =	vadd.s32 $0xA0000, v3;
	_ =	sdelay $0x1  }
0xc4: {  	v6 =	vmov s24;
	v5 =	vadd.s32 s24, v5  }
0xc5: {  	vm0 =	vlt.u32 v6, $0x2710;
	v4 =	vmul.f32 v4, v4;
	v5 =	vadd.s32 v2, v5  }
0xc6: {  	s23 =	sadd.s32 $0x20, s23;
	v5 =	vnsel vm0, $0x0, v5  }
.Ltmp4:
0xc7: {  	s22 =	sadd.s32 $0x20, s22;
	v4 =	vnsel vm0, $0x0, v4;
	[tilespmem:s23+$0xFFFFFFF0] =	vst v5;
	(pc) =	sbr.rel @p3 .LBB2_9-.Ltmp4, $4  }
0xc8: {  	v3 =	vnsel vm0, $0x0, v3;
	s24 =	sadd.s32 s11, s8;
	[tilespmem:s22+$0xFFFFFFF0] =	vst v4  }
0xc9: {  	s14 =	sand.u32 $0x70, s11;
	s13 =	sand.u32 $0x7F80, s24;
	[tilespmem:s23+$0x0] =	vst v3;
	v3 =	vsel vm0, $0x3F800000, v0  }
0xca: {  	s13 =	sor.u32 s14, s13;
	[tilespmem:s22+$0x0] =	vst v3  }
0xcb: {  	s11 =	sadd.s32 $0x10, s11;
	v3 =	vld [tilespmem:s13+$0x4F00]  }
0xcc: {  	_ =	sdelay $0x1  }
0xcd: {  	v4 =	vld [tilespmem:s13+$0x7700];
	_ =	sdelay $0x1  }
0xce: {  	v5 =	vmul.u32 $0x2800, v3;
	_ =	sdelay $0x1  }
0xcf: {  	v6 =	vmov s24;
	v5 =	vadd.s32 s24, v5  }
0xd0: {  	vm0 =	vlt.u32 v6, $0x2710;
	v4 =	vmul.f32 v4, v4;
	v5 =	vadd.s32 v2, v5  }
0xd1: {  	s11 =	sadd.s32 $0x20, s23;
	v5 =	vnsel vm0, $0x0, v5  }
0xd2: {  	s22 =	sadd.s32 $0x20, s22;
	v3 =	vadd.s32 $0xA0000, v3;
	v4 =	vnsel vm0, $0x0, v4;
	[tilespmem:s11+$0xFFFFFFF0] =	vst v5  }
0xd3: {  	v3 =	vnsel vm0, $0x0, v3;
	[tilespmem:s22+$0xFFFFFFF0] =	vst v4  }
0xd4: {  	[tilespmem:s11+$0x0] =	vst v3;
	v3 =	vsel vm0, $0x3F800000, v0  }
0xd5: {  	s23 =	simm.s32 $0x500;
	s14 =	simm.s32 $0x11980;
	s24 =	simm.s32 $0x11E80;
	[tilespmem:s22+$0x0] =	vst v3  }
0xd6: {  	[spmem:s4] =	stream.indirect.scatter.add.f32 [tilespmem:s14], [sflag:$0xC], $0x1, s24, s23, $0xb8;
	[tilespmem:$0x1C888] =	vst v63  }
0xd7: {  	_ =	swait.ge [sflag:s0], $0x500  }
0xd8: {  	s24 =	smov.u32 s15;
	[sflag:s0] =	ssyncset.done $0x0  }
0xd9: {  	s15 =	smov.u32 s16;
	s16 =	smov.u32 s2;
	[sflag:s0] =	ssyncadd.s32 $0xFFFFFB00  }
.LBB2_11:
0xda: {  	s22 =	simm.s32 $0x0  }
0xdb: {  	v3 =	vld [tilespmem:s22+$0x0];
	_ =	sdelay $0x1  }
0xdc: {  	v5 =	vld [tilespmem:s22+$0x2780];
	_ =	sdelay $0x5  }
0xdd: {  	v4 =	vld.idx.msk [tilespmem:v3+s29+$0x0], $0xffff;
	_ =	sdelay $0x1  }
0xde: {  	v7 =	vld.idx.msk [tilespmem:v5+s19+$0x0], $0xffff  }
0xdf: {  	s11 =	simm.s32 $0x10;
	v8 =	vld.idx.msk [tilespmem:v3+s19+$0x0], $0xffff  }
0xe0: {  	v3 =	vld [tilespmem:s11+$0x0]  }
0xe1: {  	v6 =	vmul.u32 $0x2800, v4;
	v4 =	vld [tilespmem:s11+$0x2780];
	_ =	sdelay $0x3  }
0xe2: {  	s23 =	simm.s32 $0x80;
	v6 =	vadd.s32 v5, v6;
	v5 =	vmul.f32 v8, v7  }
.LBB2_12:
0xe3: {  	p3 =	sne.s32 s23, $0x1F00;
	[tilespmem:s22+$0x10980] =	vst v6;
	v6 =	vmov v4;
	s13 =	smov.u32 s23;
	s23 =	sadd.s32 $0x40, s23  }
0xe4: {  	[tilespmem:s22+$0xF980] =	vst v5;
	s22 =	smov.u32 s11  }
0xe5: {  	v5 =	vld.idx.msk [tilespmem:v3+s29+$0x0], $0xffff  }
0xe6: {  	v7 =	vld.idx.msk [tilespmem:v4+s19+$0x0], $0xffff  }
0xe7: {  	s11 =	sshra.s32 s13, $0x2;
	v8 =	vld.idx.msk [tilespmem:v3+s19+$0x0], $0xffff  }
0xe8: {  	v3 =	vld [tilespmem:s11+$0x0]  }
.Ltmp5:
0xe9: {  	v4 =	vld [tilespmem:s11+$0x2780];
	(pc) =	sbr.rel @p3 .LBB2_12-.Ltmp5, $3  }
0xea: {  	_ = 	snop  }
0xeb: {  	v5 =	vmul.u32 $0x2800, v5;
	_ =	sdelay $0x1  }
0xec: {  	v6 =	vadd.s32 v6, v5;
	v5 =	vmul.f32 v8, v7  }
0xed: {  	_ =	sdelay $0x1  }
0xee: {  	[tilespmem:s22+$0x10980] =	vst v6  }
0xef: {  	[tilespmem:s22+$0xF980] =	vst v5  }
0xf0: {  	v5 =	vld.idx.msk [tilespmem:v3+s29+$0x0], $0xffff  }
0xf1: {  	v6 =	vld.idx.msk [tilespmem:v4+s19+$0x0], $0xffff  }
0xf2: {  	v3 =	vld.idx.msk [tilespmem:v3+s19+$0x0], $0xffff;
	_ =	sdelay $0x4  }
0xf3: {  	v5 =	vmul.u32 $0x2800, v5;
	v3 =	vmul.f32 v3, v6;
	_ =	sdelay $0x1  }
0xf4: {  	v4 =	vadd.s32 v4, v5;
	[tilespmem:s11+$0xF980] =	vst v3  }
0xf5: {  	s2 =	simm.s32 $0x10980;
	s23 =	simm.s32 $0xF980;
	s22 =	simm.s32 $0x0;
	[tilespmem:s11+$0x10980] =	vst v4  }
0xf6: {  	[spmem:s4] =	stream.indirect.scatter.add.f32 [tilespmem:s23], [sflag:$0x8], $0x1, s2, s7, $0xb8;
	[tilespmem:$0x1C888] =	vst v63  }
0xf7: {  	v3 =	vld [tilespmem:s22+$0x7D0];
	_ =	sdelay $0x1  }
0xf8: {  	v5 =	vld [tilespmem:s22+$0x2F50];
	_ =	sdelay $0x5  }
0xf9: {  	v4 =	vld.idx.msk [tilespmem:v3+s29+$0x0], $0xffff;
	_ =	sdelay $0x1  }
0xfa: {  	v7 =	vld.idx.msk [tilespmem:v5+s19+$0x0], $0xffff  }
0xfb: {  	s11 =	simm.s32 $0x10;
	v8 =	vld.idx.msk [tilespmem:v3+s19+$0x0], $0xffff  }
0xfc: {  	v3 =	vld [tilespmem:s11+$0x7D0]  }
0xfd: {  	v6 =	vmul.u32 $0x2800, v4;
	v4 =	vld [tilespmem:s11+$0x2F50];
	_ =	sdelay $0x3  }
0xfe: {  	s23 =	simm.s32 $0x80;
	v6 =	vadd.s32 v5, v6;
	v5 =	vmul.f32 v8, v7  }
.LBB2_14:
0xff: {  	p3 =	sne.s32 s23, $0x1F00;
	[tilespmem:s22+$0x11180] =	vst v6;
	v6 =	vmov v4;
	s13 =	smov.u32 s23;
	s23 =	sadd.s32 $0x40, s23  }
0x100: {  	[tilespmem:s22+$0x10180] =	vst v5;
	s22 =	smov.u32 s11  }
0x101: {  	v5 =	vld.idx.msk [tilespmem:v3+s29+$0x0], $0xffff  }
0x102: {  	v7 =	vld.idx.msk [tilespmem:v4+s19+$0x0], $0xffff  }
0x103: {  	s11 =	sshra.s32 s13, $0x2;
	v8 =	vld.idx.msk [tilespmem:v3+s19+$0x0], $0xffff  }
0x104: {  	v3 =	vld [tilespmem:s11+$0x7D0]  }
.Ltmp6:
0x105: {  	v4 =	vld [tilespmem:s11+$0x2F50];
	(pc) =	sbr.rel @p3 .LBB2_14-.Ltmp6, $3  }
0x106: {  	_ = 	snop  }
0x107: {  	v5 =	vmul.u32 $0x2800, v5;
	_ =	sdelay $0x1  }
0x108: {  	v6 =	vadd.s32 v6, v5;
	v5 =	vmul.f32 v8, v7  }
0x109: {  	_ =	sdelay $0x1  }
0x10a: {  	[tilespmem:s22+$0x11180] =	vst v6  }
0x10b: {  	[tilespmem:s22+$0x10180] =	vst v5  }
0x10c: {  	v5 =	vld.idx.msk [tilespmem:v3+s29+$0x0], $0xffff  }
0x10d: {  	v6 =	vld.idx.msk [tilespmem:v4+s19+$0x0], $0xffff  }
0x10e: {  	v3 =	vld.idx.msk [tilespmem:v3+s19+$0x0], $0xffff;
	_ =	sdelay $0x4  }
0x10f: {  	v5 =	vmul.u32 $0x2800, v5;
	v3 =	vmul.f32 v3, v6;
	_ =	sdelay $0x1  }
0x110: {  	v4 =	vadd.s32 v4, v5;
	[tilespmem:s11+$0x10180] =	vst v3  }
0x111: {  	s23 =	simm.s32 $0x11180;
	s13 =	simm.s32 $0x10180;
	[tilespmem:s11+$0x11180] =	vst v4  }
0x112: {  	[spmem:s4] =	stream.indirect.scatter.add.f32 [tilespmem:s13], [sflag:$0x9], $0x1, s23, s7, $0xb8;
	[tilespmem:$0x1C888] =	vst v63  }
0x113: {  	_ =	swait.ge [sflag:s18], $0x7D0  }
0x114: {  	[sflag:s18] =	ssyncset.done $0x0  }
0x115: {  	s22 =	simm.s32 $0x0;
	[sflag:s18] =	ssyncadd.s32 $0xFFFFF830  }
0x116: {  	v3 =	vld [tilespmem:s22+$0xFA0];
	_ =	sdelay $0x1  }
0x117: {  	v5 =	vld [tilespmem:s22+$0x3720];
	_ =	sdelay $0x5  }
0x118: {  	v4 =	vld.idx.msk [tilespmem:v3+s29+$0x0], $0xffff;
	_ =	sdelay $0x1  }
0x119: {  	v7 =	vld.idx.msk [tilespmem:v5+s19+$0x0], $0xffff  }
0x11a: {  	s11 =	simm.s32 $0x10;
	v8 =	vld.idx.msk [tilespmem:v3+s19+$0x0], $0xffff  }
0x11b: {  	v3 =	vld [tilespmem:s11+$0xFA0]  }
0x11c: {  	v6 =	vmul.u32 $0x2800, v4;
	v4 =	vld [tilespmem:s11+$0x3720];
	_ =	sdelay $0x3  }
0x11d: {  	s23 =	simm.s32 $0x80;
	v6 =	vadd.s32 v5, v6;
	v5 =	vmul.f32 v8, v7  }
.LBB2_16:
0x11e: {  	p3 =	sne.s32 s23, $0x1F00;
	[tilespmem:s22+$0x10980] =	vst v6;
	v6 =	vmov v4;
	s13 =	smov.u32 s23;
	s23 =	sadd.s32 $0x40, s23  }
0x11f: {  	[tilespmem:s22+$0xF980] =	vst v5;
	s22 =	smov.u32 s11  }
0x120: {  	v5 =	vld.idx.msk [tilespmem:v3+s29+$0x0], $0xffff  }
0x121: {  	v7 =	vld.idx.msk [tilespmem:v4+s19+$0x0], $0xffff  }
0x122: {  	s11 =	sshra.s32 s13, $0x2;
	v8 =	vld.idx.msk [tilespmem:v3+s19+$0x0], $0xffff  }
0x123: {  	v3 =	vld [tilespmem:s11+$0xFA0]  }
.Ltmp7:
0x124: {  	v4 =	vld [tilespmem:s11+$0x3720];
	(pc) =	sbr.rel @p3 .LBB2_16-.Ltmp7, $3  }
0x125: {  	_ = 	snop  }
0x126: {  	v5 =	vmul.u32 $0x2800, v5;
	_ =	sdelay $0x1  }
0x127: {  	v6 =	vadd.s32 v6, v5;
	v5 =	vmul.f32 v8, v7  }
0x128: {  	_ =	sdelay $0x1  }
0x129: {  	[tilespmem:s22+$0x10980] =	vst v6  }
0x12a: {  	[tilespmem:s22+$0xF980] =	vst v5  }
0x12b: {  	v5 =	vld.idx.msk [tilespmem:v3+s29+$0x0], $0xffff  }
0x12c: {  	v6 =	vld.idx.msk [tilespmem:v4+s19+$0x0], $0xffff  }
0x12d: {  	v3 =	vld.idx.msk [tilespmem:v3+s19+$0x0], $0xffff;
	_ =	sdelay $0x4  }
0x12e: {  	v5 =	vmul.u32 $0x2800, v5;
	v3 =	vmul.f32 v3, v6;
	_ =	sdelay $0x1  }
0x12f: {  	v4 =	vadd.s32 v4, v5;
	[tilespmem:s11+$0xF980] =	vst v3  }
0x130: {  	s23 =	simm.s32 $0xF980;
	[tilespmem:s11+$0x10980] =	vst v4  }
0x131: {  	[spmem:s4] =	stream.indirect.scatter.add.f32 [tilespmem:s23], [sflag:$0x8], $0x1, s2, s7, $0xb8;
	[tilespmem:$0x1C888] =	vst v63  }
0x132: {  	_ =	swait.ge [sflag:s25], $0x7D0  }
0x133: {  	[sflag:s25] =	ssyncset.done $0x0  }
0x134: {  	s22 =	simm.s32 $0x0;
	[sflag:s25] =	ssyncadd.s32 $0xFFFFF830  }
0x135: {  	v3 =	vld [tilespmem:s22+$0x1770];
	_ =	sdelay $0x1  }
0x136: {  	v5 =	vld [tilespmem:s22+$0x3EF0];
	_ =	sdelay $0x5  }
0x137: {  	v4 =	vld.idx.msk [tilespmem:v3+s29+$0x0], $0xffff;
	_ =	sdelay $0x1  }
0x138: {  	v7 =	vld.idx.msk [tilespmem:v5+s19+$0x0], $0xffff  }
0x139: {  	s11 =	simm.s32 $0x10;
	v8 =	vld.idx.msk [tilespmem:v3+s19+$0x0], $0xffff  }
0x13a: {  	v3 =	vld [tilespmem:s11+$0x1770]  }
0x13b: {  	v6 =	vmul.u32 $0x2800, v4;
	v4 =	vld [tilespmem:s11+$0x3EF0];
	_ =	sdelay $0x3  }
0x13c: {  	s23 =	simm.s32 $0x80;
	v6 =	vadd.s32 v5, v6;
	v5 =	vmul.f32 v8, v7  }
.LBB2_18:
0x13d: {  	p3 =	sne.s32 s23, $0x1F00;
	[tilespmem:s22+$0x11180] =	vst v6;
	v6 =	vmov v4;
	s13 =	smov.u32 s23;
	s23 =	sadd.s32 $0x40, s23  }
0x13e: {  	[tilespmem:s22+$0x10180] =	vst v5;
	s22 =	smov.u32 s11  }
0x13f: {  	v5 =	vld.idx.msk [tilespmem:v3+s29+$0x0], $0xffff  }
0x140: {  	v7 =	vld.idx.msk [tilespmem:v4+s19+$0x0], $0xffff  }
0x141: {  	s11 =	sshra.s32 s13, $0x2;
	v8 =	vld.idx.msk [tilespmem:v3+s19+$0x0], $0xffff  }
0x142: {  	v3 =	vld [tilespmem:s11+$0x1770]  }
.Ltmp8:
0x143: {  	v4 =	vld [tilespmem:s11+$0x3EF0];
	(pc) =	sbr.rel @p3 .LBB2_18-.Ltmp8, $3  }
0x144: {  	_ = 	snop  }
0x145: {  	v5 =	vmul.u32 $0x2800, v5;
	_ =	sdelay $0x1  }
0x146: {  	v6 =	vadd.s32 v6, v5;
	v5 =	vmul.f32 v8, v7  }
0x147: {  	_ =	sdelay $0x1  }
0x148: {  	[tilespmem:s22+$0x11180] =	vst v6  }
0x149: {  	[tilespmem:s22+$0x10180] =	vst v5  }
0x14a: {  	v5 =	vld.idx.msk [tilespmem:v3+s29+$0x0], $0xffff  }
0x14b: {  	v6 =	vld.idx.msk [tilespmem:v4+s19+$0x0], $0xffff  }
0x14c: {  	v3 =	vld.idx.msk [tilespmem:v3+s19+$0x0], $0xffff;
	_ =	sdelay $0x4  }
0x14d: {  	v5 =	vmul.u32 $0x2800, v5;
	v3 =	vmul.f32 v3, v6;
	_ =	sdelay $0x1  }
0x14e: {  	v4 =	vadd.s32 v4, v5;
	[tilespmem:s11+$0x10180] =	vst v3  }
0x14f: {  	s23 =	simm.s32 $0x11180;
	s13 =	simm.s32 $0x10180;
	[tilespmem:s11+$0x11180] =	vst v4  }
0x150: {  	[spmem:s4] =	stream.indirect.scatter.add.f32 [tilespmem:s13], [sflag:$0x9], $0x1, s23, s7, $0xb8;
	[tilespmem:$0x1C888] =	vst v63  }
0x151: {  	_ =	swait.ge [sflag:s18], $0x7D0  }
0x152: {  	[sflag:s18] =	ssyncset.done $0x0  }
0x153: {  	s22 =	simm.s32 $0x0;
	[sflag:s18] =	ssyncadd.s32 $0xFFFFF830  }
0x154: {  	v3 =	vld [tilespmem:s22+$0x1F40];
	_ =	sdelay $0x1  }
0x155: {  	v5 =	vld [tilespmem:s22+$0x46C0];
	_ =	sdelay $0x5  }
0x156: {  	v4 =	vld.idx.msk [tilespmem:v3+s29+$0x0], $0xffff;
	_ =	sdelay $0x1  }
0x157: {  	v7 =	vld.idx.msk [tilespmem:v5+s19+$0x0], $0xffff  }
0x158: {  	s11 =	simm.s32 $0x10;
	v8 =	vld.idx.msk [tilespmem:v3+s19+$0x0], $0xffff  }
0x159: {  	v3 =	vld [tilespmem:s11+$0x1F40]  }
0x15a: {  	v6 =	vmul.u32 $0x2800, v4;
	v4 =	vld [tilespmem:s11+$0x46C0];
	_ =	sdelay $0x3  }
0x15b: {  	s23 =	simm.s32 $0x80;
	v6 =	vadd.s32 v5, v6;
	v5 =	vmul.f32 v8, v7  }
.LBB2_20:
0x15c: {  	p3 =	sne.s32 s23, $0x1F00;
	[tilespmem:s22+$0x10980] =	vst v6;
	v6 =	vmov v4;
	s13 =	smov.u32 s23;
	s23 =	sadd.s32 $0x40, s23  }
0x15d: {  	[tilespmem:s22+$0xF980] =	vst v5;
	s22 =	smov.u32 s11  }
0x15e: {  	v5 =	vld.idx.msk [tilespmem:v3+s29+$0x0], $0xffff  }
0x15f: {  	v7 =	vld.idx.msk [tilespmem:v4+s19+$0x0], $0xffff  }
0x160: {  	s11 =	sshra.s32 s13, $0x2;
	v8 =	vld.idx.msk [tilespmem:v3+s19+$0x0], $0xffff  }
0x161: {  	v3 =	vld [tilespmem:s11+$0x1F40]  }
.Ltmp9:
0x162: {  	v4 =	vld [tilespmem:s11+$0x46C0];
	(pc) =	sbr.rel @p3 .LBB2_20-.Ltmp9, $3  }
0x163: {  	_ = 	snop  }
0x164: {  	v5 =	vmul.u32 $0x2800, v5;
	_ =	sdelay $0x1  }
0x165: {  	v6 =	vadd.s32 v6, v5;
	v5 =	vmul.f32 v8, v7  }
0x166: {  	_ =	sdelay $0x1  }
0x167: {  	[tilespmem:s22+$0x10980] =	vst v6  }
0x168: {  	[tilespmem:s22+$0xF980] =	vst v5  }
0x169: {  	v5 =	vld.idx.msk [tilespmem:v3+s29+$0x0], $0xffff  }
0x16a: {  	v6 =	vld.idx.msk [tilespmem:v4+s19+$0x0], $0xffff  }
0x16b: {  	v3 =	vld.idx.msk [tilespmem:v3+s19+$0x0], $0xffff;
	_ =	sdelay $0x4  }
0x16c: {  	v5 =	vmul.u32 $0x2800, v5;
	v3 =	vmul.f32 v3, v6;
	_ =	sdelay $0x1  }
0x16d: {  	v63 =	vadd.s32 v4, v5;
	[tilespmem:s11+$0xF980] =	vst v3  }
0x16e: {  	s23 =	simm.s32 $0xF980;
	[tilespmem:s11+$0x10980] =	vst v63  }
0x16f: {  	[spmem:s4] =	stream.indirect.scatter.add.f32 [tilespmem:s23], [sflag:$0x8], $0x1, s2, s7, $0xb8;
	[tilespmem:$0x1C888] =	vst v63  }
0x170: {  	_ =	swait.ge [sflag:s25], $0x7D0  }
0x171: {  	[sflag:s25] =	ssyncset.done $0x0  }
0x172: {  	[sflag:s25] =	ssyncadd.s32 $0xFFFFF830  }
0x173: {  	_ =	swait.ge [sflag:s18], $0x7D0  }
0x174: {  	[sflag:s18] =	ssyncset.done $0x0  }
0x175: {  	[sflag:s18] =	ssyncadd.s32 $0xFFFFF830  }
0x176: {  	[bflag:$0x0] =	sbarrier.arrive $0xFFFF  }
0x177: {  	[tilespmem:s31], [sflag:$0xC] =	stream.linear.gather [spmem:s3], $0x2800, $0x38;
	[tilespmem:$0x1C888] =	vst v63  }
0x178: {  	_ =	swait.ge [sflag:s0], $0x2800  }
0x179: {  	[sflag:s0] =	ssyncset.done $0x0  }
0x17a: {  	s13 =	rddreg [dreg:$0x12];
	[sflag:s0] =	ssyncadd.s32 $0xFFFFD800  }
0x17b: {  	[hbm4b:s13+s6] =	stream.linear.scatter [tilespmem:s31], [sflag:$0xA], $0x2800, $0x38;
	[tilespmem:$0x1C888] =	vst v63  }
0x17c: {  	_ = 	snop  }
0x17d: {  	[tilespmem:s19], [sflag:$0xC] =	stream.linear.gather [spmem:s12], $0x2800, $0x38;
	[tilespmem:$0x1C888] =	vst v63  }
0x17e: {  	_ =	swait.ge [sflag:s0], $0x2800  }
0x17f: {  	[sflag:s0] =	ssyncset.done $0x0  }
0x180: {  	s14 =	rddreg [dreg:$0x13];
	[sflag:s0] =	ssyncadd.s32 $0xFFFFD800  }
0x181: {  	[hbm4b:s14+s6] =	stream.linear.scatter [tilespmem:s19], [sflag:$0xB], $0x2800, $0x38;
	[tilespmem:$0x1C888] =	vst v63  }
0x182: {  	_ =	swait.ge [sflag:s26], $0x2800  }
0x183: {  	[sflag:s26] =	ssyncset.done $0x0  }
0x184: {  	s23 =	smov.u32 s3;
	s3 =	rddreg [dreg:$0xb];
	[sflag:s26] =	ssyncadd.s32 $0xFFFFD800  }
0x185: {  	[tilespmem:s31], [sflag:$0xC] =	stream.linear.gather [spmem:s3], $0x2800, $0x38;
	[tilespmem:$0x1C888] =	vst v63  }
0x186: {  	_ =	swait.ge [sflag:s0], $0x2800  }
0x187: {  	[sflag:s0] =	ssyncset.done $0x0  }
0x188: {  	s11 =	rddreg [dreg:$0x14];
	[sflag:s0] =	ssyncadd.s32 $0xFFFFD800  }
0x189: {  	[hbm4b:s11+s6] =	stream.linear.scatter [tilespmem:s31], [sflag:$0xA], $0x2800, $0x38;
	[tilespmem:$0x1C888] =	vst v63  }
0x18a: {  	_ =	swait.ge [sflag:s20], $0x2800  }
0x18b: {  	[sflag:s20] =	ssyncset.done $0x0  }
0x18c: {  	s22 =	smov.u32 s12;
	s12 =	rddreg [dreg:$0xc];
	[sflag:s20] =	ssyncadd.s32 $0xFFFFD800  }
0x18d: {  	[tilespmem:s19], [sflag:$0xC] =	stream.linear.gather [spmem:s12], $0x2800, $0x38;
	[tilespmem:$0x1C888] =	vst v63  }
0x18e: {  	_ =	swait.ge [sflag:s0], $0x2800  }
0x18f: {  	[sflag:s0] =	ssyncset.done $0x0  }
0x190: {  	s13 =	rddreg [dreg:$0x15];
	[sflag:s0] =	ssyncadd.s32 $0xFFFFD800  }
0x191: {  	[hbm4b:s13+s6] =	stream.linear.scatter [tilespmem:s19], [sflag:$0xB], $0x2800, $0x38;
	[tilespmem:$0x1C888] =	vst v63  }
0x192: {  	_ =	swait.ge [sflag:s26], $0x2800  }
0x193: {  	[sflag:s26] =	ssyncset.done $0x0  }
0x194: {  	[sflag:s26] =	ssyncadd.s32 $0xFFFFD800  }
0x195: {  	_ =	swait.ge [sflag:s20], $0x2800  }
0x196: {  	s11 =	simm.s32 @!p2 $0x9F00;
	[sflag:s20] =	ssyncset.done $0x0  }
0x197: {  	s13 =	simm.s32 @!p2 $0xC;
	s2 =	rddreg [dreg:$0xd];
	[sflag:s20] =	ssyncadd.s32 $0xFFFFD800  }
0x198: {  	[tilespmem:s11], [sflag:$0xC] =	stream.linear.gather @!p2 [spmem:s2], $0x80, $0x38;
	[tilespmem:$0x1C888] =	vst v63  }
0x199: {  	_ =	swait.ge @!p2 [sflag:s13], $0x80  }
0x19a: {  	[sflag:s13] =	ssyncset.done @!p2 $0x0  }
0x19b: {  	s14 =	simm.s32 @!p2 $0x0;
	[sflag:s13] =	ssyncadd.s32 @!p2 $0xFFFFFF80  }
0x19c: {  	[hbm4b:s15+s14] =	stream.linear.scatter @!p2 [tilespmem:s11], [sflag:$0xC], $0x80, $0x38;
	[tilespmem:$0x1C888] =	vst v63  }
0x19d: {  	_ =	swait.ge @!p2 [sflag:s13], $0x80  }
0x19e: {  	s21 =	sadd.s32 $0x1, s21;
	s14 =	rddreg [dreg:$0x16]  }
0x19f: {  	p3 =	sne.s32 s21, s14  }
.Ltmp10:
0x1a0: {  	_ = 	snop;
	(pc) =	sbr.rel @p3 .LBB2_1-.Ltmp10, $3  }
0x1a1: {  	_ =	sdelay $0x1  }
0x1a2: {  	[sflag:s13] =	ssyncset.done @!p2 $0x0  }
0x1a3: {  	[sflag:s13] =	ssyncadd.s32 @!p2 $0xFFFFFF80  }
0x1a4: {  	_ =	sfence.sel $0x180000  }
0x1a5: {  	[bflag:$0x0] =	sbarrier.arrive $0xFFFF  }
0x1a6: {  	_ =	strace $0x90000047  }
0x1a7: {  	[bflag:$0x2] =	sbarrier.arrive $0xFFFF  }
0x1a8: {  	s0 =	rddreg [dreg:$0x6]  }
0x1a9: {  	s0 =	sadd.s32 @!p0 $0x100000, s0  }
0x1aa: {  	[sflag:s0] =	ssyncadd.tile.s32 @!p0 $0x1;
	_ =	shalt  }
.Lfunc_end2:
_tile_overlayer_lowered:
.L_overlay_start_2:
0x1ab: {  	(tag) =	ssettag $0x2  }
0x1ac: {  	s0 =	rddreg [dreg:$0x0];
	s2 =	stileid.u32  }
0x1ad: {  	s1 =	rddreg [dreg:$0x1];
	p0 =	sne.s32 s2, $0x0  }
0x1ae: {  	s3 =	rddreg [dreg:$0x2];
	[bflag:$0x3] =	sbarrier.arrive $0xFFFF;
	s2 =	simm.s32 @!p0 $0x1C0C  }
0x1af: {  	[timem:s3], [sflag:s2] =	dma.local @!p0 [hbm:s0], s1  }
0x1b0: {  	s0 =	simm.s32 @!p0 $0xC  }
0x1b1: {  	_ =	swait.ge @!p0 [sflag:s0], s1  }
0x1b2: {  	s1 =	ssub.s32 @!p0 $0x0, s1;
	[sflag:s0] =	ssyncset.done @!p0 $0x0  }
0x1b3: {  	[sflag:s0] =	ssyncadd.s32 @!p0 s1  }
0x1b4: {  	[bflag:$0x3] =	sbarrier.arrive $0xFFFF  }
0x1b5: {  	_ =	shalt  }

</sc_bundles>
